<compile_context>
chip_gen: v7x
topology: tpu7x:2x2x1
jax: 0.10.2.dev20260603
libtpu: 0.0.44.dev20260713+nightly
codegen_flags: <defaults>
</compile_context>

<pallas_src>
import functools
import math

import jax
import jax.numpy as jnp
from jax import lax
from jax.experimental import pallas as pl
from jax.experimental.pallas import tpu as pltpu
from jax.experimental.pallas import tpu_sc as plsc

NUM_CORES = 2
NUM_SUBCORES = 16
NW = NUM_CORES * NUM_SUBCORES

MAX_CTX_LEN = 256

CH_ROWS = 1
NBUF = 4
GSPLIT = 1


def _positional_encoding(seq_len: int, d: int) -> jnp.ndarray:
    full_len = max(seq_len, MAX_CTX_LEN)
    position = jnp.arange(full_len, dtype=jnp.float32)[:, None]
    div_term = jnp.exp(
        jnp.arange(0, d, 2, dtype=jnp.float32) * (-math.log(10000.0) / d)
    )
    pe = jnp.zeros((full_len, d), dtype=jnp.float32)
    pe = pe.at[:, 0::2].set(jnp.sin(position * div_term))
    pe = pe.at[:, 1::2].set(jnp.cos(position * div_term))
    return pe[:seq_len]


@functools.lru_cache(maxsize=None)
def _make_kernel(B: int, S: int, D: int):
    per_w = B * S // NW
    ch = CH_ROWS * S
    nsteps = per_w // ch
    cuts = [8 * round(ch * j / GSPLIT / 8) for j in range(GSPLIT + 1)]
    parts = [(cuts[j], cuts[j + 1] - cuts[j]) for j in range(GSPLIT)]
    n_main = (nsteps // NBUF) * NBUF
    if n_main >= nsteps:
        n_main -= NBUF
    assert per_w % ch == 0 and all(n > 0 for _, n in parts)
    assert n_main >= NBUF
    mesh = plsc.VectorSubcoreMesh(
        core_axis_name="c",
        subcore_axis_name="s",
        num_cores=NUM_CORES,
        num_subcores=NUM_SUBCORES,
    )

    @functools.partial(
        pl.kernel,
        out_type=jax.ShapeDtypeStruct((B * S, D), jnp.float32),
        mesh=mesh,
        scratch_types=[
            pltpu.VMEM((per_w,), jnp.int32),
            pltpu.VMEM_SHARED((ch, D), jnp.float32),
            pltpu.VMEM((NBUF, ch, D), jnp.float32),
        ]
        + [pltpu.SemaphoreType.DMA] * (2 * NBUF + 1),
    )
    def emb_kernel(ids_hbm, table_hbm, pe_hbm, out_hbm, *scratch):
        idx_all = scratch[0]
        pe_sh = scratch[1]
        bufs = scratch[2]
        sem_g = scratch[3 : 3 + NBUF]
        sem_wb = scratch[3 + NBUF : 3 + 2 * NBUF]
        sem_p = scratch[3 + 2 * NBUF]
        sid = lax.axis_index("s")
        wid = sid * NUM_CORES + lax.axis_index("c")
        base = wid * per_w

        idx_load = pltpu.async_copy(
            ids_hbm.at[pl.ds(base, per_w)], idx_all, sem_p
        )

        @pl.when(sid == 0)
        def _load_pe():
            pltpu.sync_copy(pe_hbm, pe_sh)

        plsc.subcore_barrier()
        idx_load.wait()

        def prefill(b):
            pltpu.sync_copy(pe_sh, bufs.at[b])

        def prefill_async(b):
            pltpu.async_copy(pe_sh, bufs.at[b], sem_p)

        def wait_prefill(b):
            pltpu.make_async_copy(pe_sh, bufs.at[b], sem_p).wait()

        def out_slice(k):
            return out_hbm.at[pl.ds(base + k * ch, ch)]

        def gather_parts(k, b):
            return [
                (
                    table_hbm.at[idx_all.at[pl.ds(k * ch + off, n)]],
                    bufs.at[b].at[pl.ds(off, n)],
                )
                for off, n in parts
            ]

        def issue_gather(k, b):
            for src, dst in gather_parts(k, b):
                pltpu.async_copy(src, dst, sem_g[b], add=True)

        def wait_gather(k, b):
            for src, dst in gather_parts(k, b):
                pltpu.make_async_copy(src, dst, sem_g[b]).wait()

        def wait_wb(k, b):
            pltpu.make_async_copy(bufs.at[b], out_slice(k), sem_wb[b]).wait()

        def step(k, b, dyn=True):
            b1 = (b + 1) % NBUF
            b2 = (b + 2) % NBUF

            def _launch():
                wait_prefill(b1)
                issue_gather(k + 1, b1)

            def _retire():
                wait_gather(k, b)
                pltpu.async_copy(bufs.at[b], out_slice(k), sem_wb[b])

            def _recycle():
                wait_wb(k + 2 - NBUF, b2)

            def _stage():
                if dyn:
                    pl.when(k >= NBUF - 2)(_recycle)
                elif k >= NBUF - 2:
                    _recycle()
                prefill_async(b2)

            if dyn:
                pl.when(k + 1 < nsteps)(_launch)
            elif k + 1 < nsteps:
                _launch()
            if dyn:
                pl.when(k + 2 < nsteps)(_stage)
            elif k + 2 < nsteps:
                _stage()
            _retire()

        prefill(0)
        issue_gather(0, 0)
        prefill_async(1)

        def outer(g, carry):
            for b in range(NBUF):
                step(g * NBUF + b, b)
            return carry

        lax.fori_loop(0, n_main // NBUF, outer, 0)
        for k in range(n_main, nsteps):
            step(k, k % NBUF, dyn=False)

        for k in range(nsteps - NBUF, nsteps):
            wait_wb(k, k % NBUF)

    return emb_kernel


def kernel(token_ids, token_embedding):
    B, S = token_ids.shape
    V, D = token_embedding.shape
    pe = _positional_encoding(S, D)
    pe_rep = jnp.tile(pe, (CH_ROWS, 1))
    ids = token_ids.reshape(B * S).astype(jnp.int32)
    emb_kernel = _make_kernel(B, S, D)
    out = emb_kernel(ids, token_embedding, pe_rep)
    return out.reshape(B, S, D)

# --- scband reference (transcript-rebuilt; emitter-appended) ---
"""Pipeline reference for scband-embedding-21998822490568 (READ-ONLY COPY).

The authoritative reference and input builder live on the scoring server;
editing this copy changes nothing except your own understanding.
"""

import jax, jax.numpy as jnp
import numpy as np
import math

VOCAB = 100000
DIM = 128
MAX_CTX = 256


def _sinusoidal_pe(seq_len: int, d: int) -> jnp.ndarray:
    position = jnp.arange(seq_len, dtype=jnp.float32)[:, None]
    div_term = jnp.exp(jnp.arange(0, d, 2, dtype=jnp.float32) * (-math.log(10000.0) / d))
    pe = jnp.zeros((1, seq_len, d), dtype=jnp.float32)
    pe = pe.at[:, :, 0::2].set(jnp.sin(position * div_term)[None])
    # d is even, so the full div_term is used for cosine terms
    pe = pe.at[:, :, 1::2].set(jnp.cos(position * div_term)[None])
    return pe


def setup_inputs(seed: int = 0) -> dict:
    key = jax.random.key(seed)
    k_idx, k_tab = jax.random.split(key)
    token_ids = jax.random.randint(k_idx, (1024, 200), 0, VOCAB, dtype=jnp.int64 if jax.config.jax_enable_x64 else jnp.int32)
    token_embedding = jax.random.normal(k_tab, (VOCAB, DIM), dtype=jnp.float32)
    return {"token_ids": token_ids, "token_embedding": token_embedding}


def reference(token_ids, token_embedding):
    batch_size, seq_len = token_ids.shape
    d = token_embedding.shape[1]
    # gather: embedding lookup
    token_embedded = jnp.take(token_embedding, token_ids, axis=0)
    # sinusoidal positional encoding cached up to max(seq_len, MAX_CTX), then sliced
    pe_full = _sinusoidal_pe(max(seq_len, MAX_CTX), d)
    position_encoded = pe_full[:, :seq_len, :]
    return token_embedded + position_encoded

if __name__ == "__main__":
    import jax
    _d = setup_inputs()
    print(jax.jit(kernel)(*tuple(_d.values())))

</pallas_src>

<mosaic_0001>
#map = affine_map<(d0, d1) -> (0)>
#map1 = affine_map<(d0, d1) -> (0, 0)>
module attributes {stable_mosaic.version = 14 : i64} {
  func.func @emb_kernel(%arg0: i32, %arg1: i32, %arg2: memref<204800xi32, #tpu.memory_space<hbm>>, %arg3: memref<100000x128xf32, #tpu.memory_space<hbm>>, %arg4: memref<200x128xf32, #tpu.memory_space<hbm>>, %arg5: memref<204800x128xf32, #tpu.memory_space<hbm>>, %arg6: memref<6400xi32, #tpu.memory_space<vmem>>, %arg7: memref<200x128xf32, #tpu.memory_space<vmem_shared>>, %arg8: memref<4x200x128xf32, #tpu.memory_space<vmem>>, %arg9: memref<!tpu.dma_semaphore, #tpu.memory_space<semaphore_mem>>, %arg10: memref<!tpu.dma_semaphore, #tpu.memory_space<semaphore_mem>>, %arg11: memref<!tpu.dma_semaphore, #tpu.memory_space<semaphore_mem>>, %arg12: memref<!tpu.dma_semaphore, #tpu.memory_space<semaphore_mem>>, %arg13: memref<!tpu.dma_semaphore, #tpu.memory_space<semaphore_mem>>, %arg14: memref<!tpu.dma_semaphore, #tpu.memory_space<semaphore_mem>>, %arg15: memref<!tpu.dma_semaphore, #tpu.memory_space<semaphore_mem>>, %arg16: memref<!tpu.dma_semaphore, #tpu.memory_space<semaphore_mem>>, %arg17: memref<!tpu.dma_semaphore, #tpu.memory_space<semaphore_mem>>) attributes {dimension_semantics = [#tpu.dimension_semantics<core_parallel>, #tpu.dimension_semantics<subcore_parallel>], iteration_bounds = array<i64: 2, 16>, scalar_prefetch = 0 : i64, scratch_operands = 12 : i64, tpu.core_type = #tpu.core_type<sc_vector_subcore>, window_params = [{transform_indices = #map}, {transform_indices = #map1}, {transform_indices = #map1}, {transform_indices = #map1}]} {
    %mul3A = arith.constant 2 : i32
    %mul3A_0 = arith.muli %arg1, %mul3A : i32
    %add3A = arith.addi %mul3A_0, %arg0 : i32
    %mul3A_1 = arith.constant 6400 : i32
    %mul3A_2 = arith.muli %add3A, %mul3A_1 : i32
    %dma_start3A = tpu.memref_slice %arg2[%mul3A_2] : memref<204800xi32, #tpu.memory_space<hbm>> -> memref<6400xi32, #tpu.memory_space<hbm>>
    %dma_start3A_3 = tpu.memref_slice %arg2[%mul3A_2] : memref<204800xi32, #tpu.memory_space<hbm>> -> memref<6400xi32, #tpu.memory_space<hbm>>
    tpu.enqueue_dma source(%dma_start3A_3 : memref<6400xi32, #tpu.memory_space<hbm>>) target(%arg6 : memref<6400xi32, #tpu.memory_space<vmem>>) target_semaphore(%arg17 : memref<!tpu.dma_semaphore, #tpu.memory_space<semaphore_mem>>)
    %eq3A = arith.constant 0 : i32
    %eq3A_4 = arith.cmpi eq, %arg1, %eq3A : i32
    %convert_element_type3A = arith.extui %eq3A_4 : i1 to i32
    %cond3A = arith.constant 0 : i32
    %cond3A_5 = arith.cmpi ne, %convert_element_type3A, %cond3A : i32
    scf.if %cond3A_5 {
      "tpu.region"() ({
        %run_scoped3A_320 = tpu.sem_alloc : memref<!tpu.dma_semaphore, #tpu.memory_space<semaphore_mem>>
        tpu.enqueue_dma source(%arg4 : memref<200x128xf32, #tpu.memory_space<hbm>>) target(%arg7 : memref<200x128xf32, #tpu.memory_space<vmem_shared>>) target_semaphore(%run_scoped3A_320 : memref<!tpu.dma_semaphore, #tpu.memory_space<semaphore_mem>>)
        tpu.wait_dma2 semaphore(%run_scoped3A_320 : memref<!tpu.dma_semaphore, #tpu.memory_space<semaphore_mem>>) src(%arg4 : memref<200x128xf32, #tpu.memory_space<hbm>>) dst(%arg7 : memref<200x128xf32, #tpu.memory_space<vmem_shared>>)
        tpu.yield
      }) : () -> ()
    } else {
    }
    %barrier3A = arith.constant 0 : index
    tpu.barrier barrier_id(%barrier3A)
    %dma_wait3A = tpu.memref_slice %arg2[%mul3A_2] : memref<204800xi32, #tpu.memory_space<hbm>> -> memref<6400xi32, #tpu.memory_space<hbm>>
    %dma_wait3A_6 = tpu.memref_slice %arg2[%mul3A_2] : memref<204800xi32, #tpu.memory_space<hbm>> -> memref<6400xi32, #tpu.memory_space<hbm>>
    tpu.wait_dma2 semaphore(%arg17 : memref<!tpu.dma_semaphore, #tpu.memory_space<semaphore_mem>>) src(%dma_wait3A_6 : memref<6400xi32, #tpu.memory_space<hbm>>) dst(%arg6 : memref<6400xi32, #tpu.memory_space<vmem>>)
    %run_scoped3A = arith.constant 0 : i32
    "tpu.region"() ({
      %run_scoped3A_320 = tpu.sem_alloc : memref<!tpu.dma_semaphore, #tpu.memory_space<semaphore_mem>>
      %dma_start3A_321 = arith.constant 0 : i32
      %dma_start3A_322 = arith.constant 0 : i32
      %dma_start3A_323 = tpu.memref_slice %arg8[%run_scoped3A, %dma_start3A_321, %dma_start3A_322] : memref<4x200x128xf32, #tpu.memory_space<vmem>> -> memref<1x200x128xf32, #tpu.memory_space<vmem>>
      %dma_start3A_324 = tpu.memref_squeeze %dma_start3A_323 : memref<1x200x128xf32, #tpu.memory_space<vmem>> -> memref<200x128xf32, #tpu.memory_space<vmem>>
      %dma_start3A_325 = arith.constant 0 : i32
      %dma_start3A_326 = arith.constant 0 : i32
      %dma_start3A_327 = tpu.memref_slice %arg8[%run_scoped3A, %dma_start3A_325, %dma_start3A_326] : memref<4x200x128xf32, #tpu.memory_space<vmem>> -> memref<1x200x128xf32, #tpu.memory_space<vmem>>
      %dma_start3A_328 = tpu.memref_squeeze %dma_start3A_327 : memref<1x200x128xf32, #tpu.memory_space<vmem>> -> memref<200x128xf32, #tpu.memory_space<vmem>>
      tpu.enqueue_dma source(%arg7 : memref<200x128xf32, #tpu.memory_space<vmem_shared>>) target(%dma_start3A_328 : memref<200x128xf32, #tpu.memory_space<vmem>>) target_semaphore(%run_scoped3A_320 : memref<!tpu.dma_semaphore, #tpu.memory_space<semaphore_mem>>)
      %dma_wait3A_329 = arith.constant 0 : i32
      %dma_wait3A_330 = arith.constant 0 : i32
      %dma_wait3A_331 = tpu.memref_slice %arg8[%run_scoped3A, %dma_wait3A_329, %dma_wait3A_330] : memref<4x200x128xf32, #tpu.memory_space<vmem>> -> memref<1x200x128xf32, #tpu.memory_space<vmem>>
      %dma_wait3A_332 = tpu.memref_squeeze %dma_wait3A_331 : memref<1x200x128xf32, #tpu.memory_space<vmem>> -> memref<200x128xf32, #tpu.memory_space<vmem>>
      %dma_wait3A_333 = arith.constant 0 : i32
      %dma_wait3A_334 = arith.constant 0 : i32
      %dma_wait3A_335 = tpu.memref_slice %arg8[%run_scoped3A, %dma_wait3A_333, %dma_wait3A_334] : memref<4x200x128xf32, #tpu.memory_space<vmem>> -> memref<1x200x128xf32, #tpu.memory_space<vmem>>
      %dma_wait3A_336 = tpu.memref_squeeze %dma_wait3A_335 : memref<1x200x128xf32, #tpu.memory_space<vmem>> -> memref<200x128xf32, #tpu.memory_space<vmem>>
      tpu.wait_dma2 semaphore(%run_scoped3A_320 : memref<!tpu.dma_semaphore, #tpu.memory_space<semaphore_mem>>) src(%arg7 : memref<200x128xf32, #tpu.memory_space<vmem_shared>>) dst(%dma_wait3A_336 : memref<200x128xf32, #tpu.memory_space<vmem>>)
      tpu.yield
    }) : () -> ()
    %dma_start3A_7 = arith.constant 0 : i32
    %dma_start3A_8 = arith.constant 0 : i32
    %dma_start3A_9 = arith.constant 0 : i32
    %dma_start3A_10 = tpu.memref_slice %arg8[%dma_start3A_7, %dma_start3A_8, %dma_start3A_9] : memref<4x200x128xf32, #tpu.memory_space<vmem>> -> memref<1x200x128xf32, #tpu.memory_space<vmem>>
    %dma_start3A_11 = tpu.memref_squeeze %dma_start3A_10 : memref<1x200x128xf32, #tpu.memory_space<vmem>> -> memref<200x128xf32, #tpu.memory_space<vmem>>
    %dma_start3A_12 = arith.constant 0 : i32
    %dma_start3A_13 = arith.constant 0 : i32
    %dma_start3A_14 = tpu.memref_slice %dma_start3A_11[%dma_start3A_12, %dma_start3A_13] : memref<200x128xf32, #tpu.memory_space<vmem>> -> memref<200x128xf32, #tpu.memory_space<vmem>>
    %dma_start3A_15 = arith.constant 0 : i32
    %dma_start3A_16 = tpu.memref_slice %arg6[%dma_start3A_15] : memref<6400xi32, #tpu.memory_space<vmem>> -> memref<200xi32, #tpu.memory_space<vmem>>
    %dma_start3A_17 = arith.constant 0 : i32
    %dma_start3A_18 = arith.constant 0 : i32
    %dma_start3A_19 = tpu.memref_slice %arg3[%dma_start3A_17, %dma_start3A_18] : memref<100000x128xf32, #tpu.memory_space<hbm>> -> memref<100000x128xf32, #tpu.memory_space<hbm>>
    tpu.enqueue_indirect_dma source(%dma_start3A_19 : memref<100000x128xf32, #tpu.memory_space<hbm>>) target(%dma_start3A_14 : memref<200x128xf32, #tpu.memory_space<vmem>>) offsets(%dma_start3A_16 : memref<200xi32, #tpu.memory_space<vmem>>) semaphore(%arg9 : memref<!tpu.dma_semaphore, #tpu.memory_space<semaphore_mem>>) {add = true}
    %dma_start3A_20 = arith.constant 1 : i32
    %dma_start3A_21 = arith.constant 0 : i32
    %dma_start3A_22 = arith.constant 0 : i32
    %dma_start3A_23 = tpu.memref_slice %arg8[%dma_start3A_20, %dma_start3A_21, %dma_start3A_22] : memref<4x200x128xf32, #tpu.memory_space<vmem>> -> memref<1x200x128xf32, #tpu.memory_space<vmem>>
    %dma_start3A_24 = tpu.memref_squeeze %dma_start3A_23 : memref<1x200x128xf32, #tpu.memory_space<vmem>> -> memref<200x128xf32, #tpu.memory_space<vmem>>
    %dma_start3A_25 = arith.constant 0 : i32
    %dma_start3A_26 = arith.constant 0 : i32
    %dma_start3A_27 = tpu.memref_slice %arg8[%dma_start3A_20, %dma_start3A_25, %dma_start3A_26] : memref<4x200x128xf32, #tpu.memory_space<vmem>> -> memref<1x200x128xf32, #tpu.memory_space<vmem>>
    %dma_start3A_28 = tpu.memref_squeeze %dma_start3A_27 : memref<1x200x128xf32, #tpu.memory_space<vmem>> -> memref<200x128xf32, #tpu.memory_space<vmem>>
    tpu.enqueue_dma source(%arg7 : memref<200x128xf32, #tpu.memory_space<vmem_shared>>) target(%dma_start3A_28 : memref<200x128xf32, #tpu.memory_space<vmem>>) target_semaphore(%arg17 : memref<!tpu.dma_semaphore, #tpu.memory_space<semaphore_mem>>)
    %scan3A = arith.constant 0 : i32
    %scan3A_29 = arith.constant 0 : i32
    %scan3A_30 = arith.constant 7 : i32
    %scan3A_31 = arith.addi %scan3A_29, %scan3A_30 : i32
    %scan3A_32 = arith.constant 1 : i32
    scf.for %scan3A_320 = %scan3A_29 to %scan3A_31 step %scan3A_32  : i32 {
      %mul3A_321 = arith.constant 4 : i32
      %mul3A_322 = arith.muli %scan3A_320, %mul3A_321 : i32
      %add3A_323 = arith.constant 0 : i32
      %add3A_324 = arith.addi %mul3A_322, %add3A_323 : i32
      %add3A_325 = arith.constant 1 : i32
      %add3A_326 = arith.addi %add3A_324, %add3A_325 : i32
      %lt3A = arith.constant 32 : i32
      %lt3A_327 = arith.cmpi slt, %add3A_326, %lt3A : i32
      %convert_element_type3A_328 = arith.extui %lt3A_327 : i1 to i32
      %cond3A_329 = arith.constant 0 : i32
      %cond3A_330 = arith.cmpi ne, %convert_element_type3A_328, %cond3A_329 : i32
      scf.if %cond3A_330 {
        %dma_wait3A_520 = arith.constant 1 : i32
        %dma_wait3A_521 = arith.constant 0 : i32
        %dma_wait3A_522 = arith.constant 0 : i32
        %dma_wait3A_523 = tpu.memref_slice %arg8[%dma_wait3A_520, %dma_wait3A_521, %dma_wait3A_522] : memref<4x200x128xf32, #tpu.memory_space<vmem>> -> memref<1x200x128xf32, #tpu.memory_space<vmem>>
        %dma_wait3A_524 = tpu.memref_squeeze %dma_wait3A_523 : memref<1x200x128xf32, #tpu.memory_space<vmem>> -> memref<200x128xf32, #tpu.memory_space<vmem>>
        %dma_wait3A_525 = arith.constant 0 : i32
        %dma_wait3A_526 = arith.constant 0 : i32
        %dma_wait3A_527 = tpu.memref_slice %arg8[%dma_wait3A_520, %dma_wait3A_525, %dma_wait3A_526] : memref<4x200x128xf32, #tpu.memory_space<vmem>> -> memref<1x200x128xf32, #tpu.memory_space<vmem>>
        %dma_wait3A_528 = tpu.memref_squeeze %dma_wait3A_527 : memref<1x200x128xf32, #tpu.memory_space<vmem>> -> memref<200x128xf32, #tpu.memory_space<vmem>>
        tpu.wait_dma2 semaphore(%arg17 : memref<!tpu.dma_semaphore, #tpu.memory_space<semaphore_mem>>) src(%arg7 : memref<200x128xf32, #tpu.memory_space<vmem_shared>>) dst(%dma_wait3A_528 : memref<200x128xf32, #tpu.memory_space<vmem>>)
        %add3A_529 = arith.constant 1 : i32
        %add3A_530 = arith.addi %add3A_324, %add3A_529 : i32
        %mul3A_531 = arith.constant 200 : i32
        %mul3A_532 = arith.muli %add3A_530, %mul3A_531 : i32
        %add3A_533 = arith.constant 0 : i32
        %add3A_534 = arith.addi %mul3A_532, %add3A_533 : i32
        %dma_start3A_535 = arith.constant 1 : i32
        %dma_start3A_536 = arith.constant 0 : i32
        %dma_start3A_537 = arith.constant 0 : i32
        %dma_start3A_538 = tpu.memref_slice %arg8[%dma_start3A_535, %dma_start3A_536, %dma_start3A_537] : memref<4x200x128xf32, #tpu.memory_space<vmem>> -> memref<1x200x128xf32, #tpu.memory_space<vmem>>
        %dma_start3A_539 = tpu.memref_squeeze %dma_start3A_538 : memref<1x200x128xf32, #tpu.memory_space<vmem>> -> memref<200x128xf32, #tpu.memory_space<vmem>>
        %dma_start3A_540 = arith.constant 0 : i32
        %dma_start3A_541 = arith.constant 0 : i32
        %dma_start3A_542 = tpu.memref_slice %dma_start3A_539[%dma_start3A_540, %dma_start3A_541] : memref<200x128xf32, #tpu.memory_space<vmem>> -> memref<200x128xf32, #tpu.memory_space<vmem>>
        %dma_start3A_543 = tpu.memref_slice %arg6[%add3A_534] : memref<6400xi32, #tpu.memory_space<vmem>> -> memref<200xi32, #tpu.memory_space<vmem>>
        %dma_start3A_544 = arith.constant 0 : i32
        %dma_start3A_545 = arith.constant 0 : i32
        %dma_start3A_546 = tpu.memref_slice %arg3[%dma_start3A_544, %dma_start3A_545] : memref<100000x128xf32, #tpu.memory_space<hbm>> -> memref<100000x128xf32, #tpu.memory_space<hbm>>
        tpu.enqueue_indirect_dma source(%dma_start3A_546 : memref<100000x128xf32, #tpu.memory_space<hbm>>) target(%dma_start3A_542 : memref<200x128xf32, #tpu.memory_space<vmem>>) offsets(%dma_start3A_543 : memref<200xi32, #tpu.memory_space<vmem>>) semaphore(%arg10 : memref<!tpu.dma_semaphore, #tpu.memory_space<semaphore_mem>>) {add = true}
      } else {
      }
      %add3A_331 = arith.constant 2 : i32
      %add3A_332 = arith.addi %add3A_324, %add3A_331 : i32
      %lt3A_333 = arith.constant 32 : i32
      %lt3A_334 = arith.cmpi slt, %add3A_332, %lt3A_333 : i32
      %convert_element_type3A_335 = arith.extui %lt3A_334 : i1 to i32
      %cond3A_336 = arith.constant 0 : i32
      %cond3A_337 = arith.cmpi ne, %convert_element_type3A_335, %cond3A_336 : i32
      scf.if %cond3A_337 {
        %ge3A = arith.constant 2 : i32
        %ge3A_520 = arith.cmpi sge, %add3A_324, %ge3A : i32
        %convert_element_type3A_521 = arith.extui %ge3A_520 : i1 to i32
        %cond3A_522 = arith.constant 0 : i32
        %cond3A_523 = arith.cmpi ne, %convert_element_type3A_521, %cond3A_522 : i32
        scf.if %cond3A_523 {
          %add3A_533 = arith.constant 2 : i32
          %add3A_534 = arith.addi %add3A_324, %add3A_533 : i32
          %sub3A = arith.constant 4 : i32
          %sub3A_535 = arith.subi %add3A_534, %sub3A : i32
          %mul3A_536 = arith.constant 200 : i32
          %mul3A_537 = arith.muli %sub3A_535, %mul3A_536 : i32
          %add3A_538 = arith.addi %mul3A_2, %mul3A_537 : i32
          %dma_wait3A_539 = arith.constant 2 : i32
          %dma_wait3A_540 = arith.constant 0 : i32
          %dma_wait3A_541 = arith.constant 0 : i32
          %dma_wait3A_542 = tpu.memref_slice %arg8[%dma_wait3A_539, %dma_wait3A_540, %dma_wait3A_541] : memref<4x200x128xf32, #tpu.memory_space<vmem>> -> memref<1x200x128xf32, #tpu.memory_space<vmem>>
          %dma_wait3A_543 = tpu.memref_squeeze %dma_wait3A_542 : memref<1x200x128xf32, #tpu.memory_space<vmem>> -> memref<200x128xf32, #tpu.memory_space<vmem>>
          %dma_wait3A_544 = arith.constant 0 : i32
          %dma_wait3A_545 = tpu.memref_slice %arg5[%add3A_538, %dma_wait3A_544] : memref<204800x128xf32, #tpu.memory_space<hbm>> -> memref<200x128xf32, #tpu.memory_space<hbm>>
          %dma_wait3A_546 = arith.constant 0 : i32
          %dma_wait3A_547 = tpu.memref_slice %arg5[%add3A_538, %dma_wait3A_546] : memref<204800x128xf32, #tpu.memory_space<hbm>> -> memref<200x128xf32, #tpu.memory_space<hbm>>
          %dma_wait3A_548 = arith.constant 0 : i32
          %dma_wait3A_549 = arith.constant 0 : i32
          %dma_wait3A_550 = tpu.memref_slice %arg8[%dma_wait3A_539, %dma_wait3A_548, %dma_wait3A_549] : memref<4x200x128xf32, #tpu.memory_space<vmem>> -> memref<1x200x128xf32, #tpu.memory_space<vmem>>
          %dma_wait3A_551 = tpu.memref_squeeze %dma_wait3A_550 : memref<1x200x128xf32, #tpu.memory_space<vmem>> -> memref<200x128xf32, #tpu.memory_space<vmem>>
          tpu.wait_dma2 semaphore(%arg15 : memref<!tpu.dma_semaphore, #tpu.memory_space<semaphore_mem>>) src(%dma_wait3A_551 : memref<200x128xf32, #tpu.memory_space<vmem>>) dst(%dma_wait3A_547 : memref<200x128xf32, #tpu.memory_space<hbm>>)
        } else {
        }
        %dma_start3A_524 = arith.constant 2 : i32
        %dma_start3A_525 = arith.constant 0 : i32
        %dma_start3A_526 = arith.constant 0 : i32
        %dma_start3A_527 = tpu.memref_slice %arg8[%dma_start3A_524, %dma_start3A_525, %dma_start3A_526] : memref<4x200x128xf32, #tpu.memory_space<vmem>> -> memref<1x200x128xf32, #tpu.memory_space<vmem>>
        %dma_start3A_528 = tpu.memref_squeeze %dma_start3A_527 : memref<1x200x128xf32, #tpu.memory_space<vmem>> -> memref<200x128xf32, #tpu.memory_space<vmem>>
        %dma_start3A_529 = arith.constant 0 : i32
        %dma_start3A_530 = arith.constant 0 : i32
        %dma_start3A_531 = tpu.memref_slice %arg8[%dma_start3A_524, %dma_start3A_529, %dma_start3A_530] : memref<4x200x128xf32, #tpu.memory_space<vmem>> -> memref<1x200x128xf32, #tpu.memory_space<vmem>>
        %dma_start3A_532 = tpu.memref_squeeze %dma_start3A_531 : memref<1x200x128xf32, #tpu.memory_space<vmem>> -> memref<200x128xf32, #tpu.memory_space<vmem>>
        tpu.enqueue_dma source(%arg7 : memref<200x128xf32, #tpu.memory_space<vmem_shared>>) target(%dma_start3A_532 : memref<200x128xf32, #tpu.memory_space<vmem>>) target_semaphore(%arg17 : memref<!tpu.dma_semaphore, #tpu.memory_space<semaphore_mem>>)
      } else {
      }
      %mul3A_338 = arith.constant 200 : i32
      %mul3A_339 = arith.muli %add3A_324, %mul3A_338 : i32
      %add3A_340 = arith.constant 0 : i32
      %add3A_341 = arith.addi %mul3A_339, %add3A_340 : i32
      %dma_wait3A_342 = arith.constant 0 : i32
      %dma_wait3A_343 = arith.constant 0 : i32
      %dma_wait3A_344 = arith.constant 0 : i32
      %dma_wait3A_345 = tpu.memref_slice %arg8[%dma_wait3A_342, %dma_wait3A_343, %dma_wait3A_344] : memref<4x200x128xf32, #tpu.memory_space<vmem>> -> memref<1x200x128xf32, #tpu.memory_space<vmem>>
      %dma_wait3A_346 = tpu.memref_squeeze %dma_wait3A_345 : memref<1x200x128xf32, #tpu.memory_space<vmem>> -> memref<200x128xf32, #tpu.memory_space<vmem>>
      %dma_wait3A_347 = arith.constant 0 : i32
      %dma_wait3A_348 = arith.constant 0 : i32
      %dma_wait3A_349 = tpu.memref_slice %dma_wait3A_346[%dma_wait3A_347, %dma_wait3A_348] : memref<200x128xf32, #tpu.memory_space<vmem>> -> memref<200x128xf32, #tpu.memory_space<vmem>>
      %dma_wait3A_350 = tpu.memref_slice %arg6[%add3A_341] : memref<6400xi32, #tpu.memory_space<vmem>> -> memref<200xi32, #tpu.memory_space<vmem>>
      %dma_wait3A_351 = arith.constant 0 : i32
      %dma_wait3A_352 = arith.constant 0 : i32
      %dma_wait3A_353 = tpu.memref_slice %arg3[%dma_wait3A_351, %dma_wait3A_352] : memref<100000x128xf32, #tpu.memory_space<hbm>> -> memref<100000x128xf32, #tpu.memory_space<hbm>>
      tpu.wait_indirect_dma semaphore(%arg9 : memref<!tpu.dma_semaphore, #tpu.memory_space<semaphore_mem>>) src(%dma_wait3A_353 : memref<100000x128xf32, #tpu.memory_space<hbm>>) dst(%dma_wait3A_349 : memref<200x128xf32, #tpu.memory_space<vmem>>)
      %mul3A_354 = arith.constant 200 : i32
      %mul3A_355 = arith.muli %add3A_324, %mul3A_354 : i32
      %add3A_356 = arith.addi %mul3A_2, %mul3A_355 : i32
      %dma_start3A_357 = arith.constant 0 : i32
      %dma_start3A_358 = arith.constant 0 : i32
      %dma_start3A_359 = arith.constant 0 : i32
      %dma_start3A_360 = tpu.memref_slice %arg8[%dma_start3A_357, %dma_start3A_358, %dma_start3A_359] : memref<4x200x128xf32, #tpu.memory_space<vmem>> -> memref<1x200x128xf32, #tpu.memory_space<vmem>>
      %dma_start3A_361 = tpu.memref_squeeze %dma_start3A_360 : memref<1x200x128xf32, #tpu.memory_space<vmem>> -> memref<200x128xf32, #tpu.memory_space<vmem>>
      %dma_start3A_362 = arith.constant 0 : i32
      %dma_start3A_363 = tpu.memref_slice %arg5[%add3A_356, %dma_start3A_362] : memref<204800x128xf32, #tpu.memory_space<hbm>> -> memref<200x128xf32, #tpu.memory_space<hbm>>
      %dma_start3A_364 = arith.constant 0 : i32
      %dma_start3A_365 = tpu.memref_slice %arg5[%add3A_356, %dma_start3A_364] : memref<204800x128xf32, #tpu.memory_space<hbm>> -> memref<200x128xf32, #tpu.memory_space<hbm>>
      %dma_start3A_366 = arith.constant 0 : i32
      %dma_start3A_367 = arith.constant 0 : i32
      %dma_start3A_368 = tpu.memref_slice %arg8[%dma_start3A_357, %dma_start3A_366, %dma_start3A_367] : memref<4x200x128xf32, #tpu.memory_space<vmem>> -> memref<1x200x128xf32, #tpu.memory_space<vmem>>
      %dma_start3A_369 = tpu.memref_squeeze %dma_start3A_368 : memref<1x200x128xf32, #tpu.memory_space<vmem>> -> memref<200x128xf32, #tpu.memory_space<vmem>>
      tpu.enqueue_dma source(%dma_start3A_369 : memref<200x128xf32, #tpu.memory_space<vmem>>) target(%dma_start3A_365 : memref<200x128xf32, #tpu.memory_space<hbm>>) target_semaphore(%arg13 : memref<!tpu.dma_semaphore, #tpu.memory_space<semaphore_mem>>)
      %mul3A_370 = arith.constant 4 : i32
      %mul3A_371 = arith.muli %scan3A_320, %mul3A_370 : i32
      %add3A_372 = arith.constant 1 : i32
      %add3A_373 = arith.addi %mul3A_371, %add3A_372 : i32
      %add3A_374 = arith.constant 1 : i32
      %add3A_375 = arith.addi %add3A_373, %add3A_374 : i32
      %lt3A_376 = arith.constant 32 : i32
      %lt3A_377 = arith.cmpi slt, %add3A_375, %lt3A_376 : i32
      %convert_element_type3A_378 = arith.extui %lt3A_377 : i1 to i32
      %cond3A_379 = arith.constant 0 : i32
      %cond3A_380 = arith.cmpi ne, %convert_element_type3A_378, %cond3A_379 : i32
      scf.if %cond3A_380 {
        %dma_wait3A_520 = arith.constant 2 : i32
        %dma_wait3A_521 = arith.constant 0 : i32
        %dma_wait3A_522 = arith.constant 0 : i32
        %dma_wait3A_523 = tpu.memref_slice %arg8[%dma_wait3A_520, %dma_wait3A_521, %dma_wait3A_522] : memref<4x200x128xf32, #tpu.memory_space<vmem>> -> memref<1x200x128xf32, #tpu.memory_space<vmem>>
        %dma_wait3A_524 = tpu.memref_squeeze %dma_wait3A_523 : memref<1x200x128xf32, #tpu.memory_space<vmem>> -> memref<200x128xf32, #tpu.memory_space<vmem>>
        %dma_wait3A_525 = arith.constant 0 : i32
        %dma_wait3A_526 = arith.constant 0 : i32
        %dma_wait3A_527 = tpu.memref_slice %arg8[%dma_wait3A_520, %dma_wait3A_525, %dma_wait3A_526] : memref<4x200x128xf32, #tpu.memory_space<vmem>> -> memref<1x200x128xf32, #tpu.memory_space<vmem>>
        %dma_wait3A_528 = tpu.memref_squeeze %dma_wait3A_527 : memref<1x200x128xf32, #tpu.memory_space<vmem>> -> memref<200x128xf32, #tpu.memory_space<vmem>>
        tpu.wait_dma2 semaphore(%arg17 : memref<!tpu.dma_semaphore, #tpu.memory_space<semaphore_mem>>) src(%arg7 : memref<200x128xf32, #tpu.memory_space<vmem_shared>>) dst(%dma_wait3A_528 : memref<200x128xf32, #tpu.memory_space<vmem>>)
        %add3A_529 = arith.constant 1 : i32
        %add3A_530 = arith.addi %add3A_373, %add3A_529 : i32
        %mul3A_531 = arith.constant 200 : i32
        %mul3A_532 = arith.muli %add3A_530, %mul3A_531 : i32
        %add3A_533 = arith.constant 0 : i32
        %add3A_534 = arith.addi %mul3A_532, %add3A_533 : i32
        %dma_start3A_535 = arith.constant 2 : i32
        %dma_start3A_536 = arith.constant 0 : i32
        %dma_start3A_537 = arith.constant 0 : i32
        %dma_start3A_538 = tpu.memref_slice %arg8[%dma_start3A_535, %dma_start3A_536, %dma_start3A_537] : memref<4x200x128xf32, #tpu.memory_space<vmem>> -> memref<1x200x128xf32, #tpu.memory_space<vmem>>
        %dma_start3A_539 = tpu.memref_squeeze %dma_start3A_538 : memref<1x200x128xf32, #tpu.memory_space<vmem>> -> memref<200x128xf32, #tpu.memory_space<vmem>>
        %dma_start3A_540 = arith.constant 0 : i32
        %dma_start3A_541 = arith.constant 0 : i32
        %dma_start3A_542 = tpu.memref_slice %dma_start3A_539[%dma_start3A_540, %dma_start3A_541] : memref<200x128xf32, #tpu.memory_space<vmem>> -> memref<200x128xf32, #tpu.memory_space<vmem>>
        %dma_start3A_543 = tpu.memref_slice %arg6[%add3A_534] : memref<6400xi32, #tpu.memory_space<vmem>> -> memref<200xi32, #tpu.memory_space<vmem>>
        %dma_start3A_544 = arith.constant 0 : i32
        %dma_start3A_545 = arith.constant 0 : i32
        %dma_start3A_546 = tpu.memref_slice %arg3[%dma_start3A_544, %dma_start3A_545] : memref<100000x128xf32, #tpu.memory_space<hbm>> -> memref<100000x128xf32, #tpu.memory_space<hbm>>
        tpu.enqueue_indirect_dma source(%dma_start3A_546 : memref<100000x128xf32, #tpu.memory_space<hbm>>) target(%dma_start3A_542 : memref<200x128xf32, #tpu.memory_space<vmem>>) offsets(%dma_start3A_543 : memref<200xi32, #tpu.memory_space<vmem>>) semaphore(%arg11 : memref<!tpu.dma_semaphore, #tpu.memory_space<semaphore_mem>>) {add = true}
      } else {
      }
      %add3A_381 = arith.constant 2 : i32
      %add3A_382 = arith.addi %add3A_373, %add3A_381 : i32
      %lt3A_383 = arith.constant 32 : i32
      %lt3A_384 = arith.cmpi slt, %add3A_382, %lt3A_383 : i32
      %convert_element_type3A_385 = arith.extui %lt3A_384 : i1 to i32
      %cond3A_386 = arith.constant 0 : i32
      %cond3A_387 = arith.cmpi ne, %convert_element_type3A_385, %cond3A_386 : i32
      scf.if %cond3A_387 {
        %ge3A = arith.constant 2 : i32
        %ge3A_520 = arith.cmpi sge, %add3A_373, %ge3A : i32
        %convert_element_type3A_521 = arith.extui %ge3A_520 : i1 to i32
        %cond3A_522 = arith.constant 0 : i32
        %cond3A_523 = arith.cmpi ne, %convert_element_type3A_521, %cond3A_522 : i32
        scf.if %cond3A_523 {
          %add3A_533 = arith.constant 2 : i32
          %add3A_534 = arith.addi %add3A_373, %add3A_533 : i32
          %sub3A = arith.constant 4 : i32
          %sub3A_535 = arith.subi %add3A_534, %sub3A : i32
          %mul3A_536 = arith.constant 200 : i32
          %mul3A_537 = arith.muli %sub3A_535, %mul3A_536 : i32
          %add3A_538 = arith.addi %mul3A_2, %mul3A_537 : i32
          %dma_wait3A_539 = arith.constant 3 : i32
          %dma_wait3A_540 = arith.constant 0 : i32
          %dma_wait3A_541 = arith.constant 0 : i32
          %dma_wait3A_542 = tpu.memref_slice %arg8[%dma_wait3A_539, %dma_wait3A_540, %dma_wait3A_541] : memref<4x200x128xf32, #tpu.memory_space<vmem>> -> memref<1x200x128xf32, #tpu.memory_space<vmem>>
          %dma_wait3A_543 = tpu.memref_squeeze %dma_wait3A_542 : memref<1x200x128xf32, #tpu.memory_space<vmem>> -> memref<200x128xf32, #tpu.memory_space<vmem>>
          %dma_wait3A_544 = arith.constant 0 : i32
          %dma_wait3A_545 = tpu.memref_slice %arg5[%add3A_538, %dma_wait3A_544] : memref<204800x128xf32, #tpu.memory_space<hbm>> -> memref<200x128xf32, #tpu.memory_space<hbm>>
          %dma_wait3A_546 = arith.constant 0 : i32
          %dma_wait3A_547 = tpu.memref_slice %arg5[%add3A_538, %dma_wait3A_546] : memref<204800x128xf32, #tpu.memory_space<hbm>> -> memref<200x128xf32, #tpu.memory_space<hbm>>
          %dma_wait3A_548 = arith.constant 0 : i32
          %dma_wait3A_549 = arith.constant 0 : i32
          %dma_wait3A_550 = tpu.memref_slice %arg8[%dma_wait3A_539, %dma_wait3A_548, %dma_wait3A_549] : memref<4x200x128xf32, #tpu.memory_space<vmem>> -> memref<1x200x128xf32, #tpu.memory_space<vmem>>
          %dma_wait3A_551 = tpu.memref_squeeze %dma_wait3A_550 : memref<1x200x128xf32, #tpu.memory_space<vmem>> -> memref<200x128xf32, #tpu.memory_space<vmem>>
          tpu.wait_dma2 semaphore(%arg16 : memref<!tpu.dma_semaphore, #tpu.memory_space<semaphore_mem>>) src(%dma_wait3A_551 : memref<200x128xf32, #tpu.memory_space<vmem>>) dst(%dma_wait3A_547 : memref<200x128xf32, #tpu.memory_space<hbm>>)
        } else {
        }
        %dma_start3A_524 = arith.constant 3 : i32
        %dma_start3A_525 = arith.constant 0 : i32
        %dma_start3A_526 = arith.constant 0 : i32
        %dma_start3A_527 = tpu.memref_slice %arg8[%dma_start3A_524, %dma_start3A_525, %dma_start3A_526] : memref<4x200x128xf32, #tpu.memory_space<vmem>> -> memref<1x200x128xf32, #tpu.memory_space<vmem>>
        %dma_start3A_528 = tpu.memref_squeeze %dma_start3A_527 : memref<1x200x128xf32, #tpu.memory_space<vmem>> -> memref<200x128xf32, #tpu.memory_space<vmem>>
        %dma_start3A_529 = arith.constant 0 : i32
        %dma_start3A_530 = arith.constant 0 : i32
        %dma_start3A_531 = tpu.memref_slice %arg8[%dma_start3A_524, %dma_start3A_529, %dma_start3A_530] : memref<4x200x128xf32, #tpu.memory_space<vmem>> -> memref<1x200x128xf32, #tpu.memory_space<vmem>>
        %dma_start3A_532 = tpu.memref_squeeze %dma_start3A_531 : memref<1x200x128xf32, #tpu.memory_space<vmem>> -> memref<200x128xf32, #tpu.memory_space<vmem>>
        tpu.enqueue_dma source(%arg7 : memref<200x128xf32, #tpu.memory_space<vmem_shared>>) target(%dma_start3A_532 : memref<200x128xf32, #tpu.memory_space<vmem>>) target_semaphore(%arg17 : memref<!tpu.dma_semaphore, #tpu.memory_space<semaphore_mem>>)
      } else {
      }
      %mul3A_388 = arith.constant 200 : i32
      %mul3A_389 = arith.muli %add3A_373, %mul3A_388 : i32
      %add3A_390 = arith.constant 0 : i32
      %add3A_391 = arith.addi %mul3A_389, %add3A_390 : i32
      %dma_wait3A_392 = arith.constant 1 : i32
      %dma_wait3A_393 = arith.constant 0 : i32
      %dma_wait3A_394 = arith.constant 0 : i32
      %dma_wait3A_395 = tpu.memref_slice %arg8[%dma_wait3A_392, %dma_wait3A_393, %dma_wait3A_394] : memref<4x200x128xf32, #tpu.memory_space<vmem>> -> memref<1x200x128xf32, #tpu.memory_space<vmem>>
      %dma_wait3A_396 = tpu.memref_squeeze %dma_wait3A_395 : memref<1x200x128xf32, #tpu.memory_space<vmem>> -> memref<200x128xf32, #tpu.memory_space<vmem>>
      %dma_wait3A_397 = arith.constant 0 : i32
      %dma_wait3A_398 = arith.constant 0 : i32
      %dma_wait3A_399 = tpu.memref_slice %dma_wait3A_396[%dma_wait3A_397, %dma_wait3A_398] : memref<200x128xf32, #tpu.memory_space<vmem>> -> memref<200x128xf32, #tpu.memory_space<vmem>>
      %dma_wait3A_400 = tpu.memref_slice %arg6[%add3A_391] : memref<6400xi32, #tpu.memory_space<vmem>> -> memref<200xi32, #tpu.memory_space<vmem>>
      %dma_wait3A_401 = arith.constant 0 : i32
      %dma_wait3A_402 = arith.constant 0 : i32
      %dma_wait3A_403 = tpu.memref_slice %arg3[%dma_wait3A_401, %dma_wait3A_402] : memref<100000x128xf32, #tpu.memory_space<hbm>> -> memref<100000x128xf32, #tpu.memory_space<hbm>>
      tpu.wait_indirect_dma semaphore(%arg10 : memref<!tpu.dma_semaphore, #tpu.memory_space<semaphore_mem>>) src(%dma_wait3A_403 : memref<100000x128xf32, #tpu.memory_space<hbm>>) dst(%dma_wait3A_399 : memref<200x128xf32, #tpu.memory_space<vmem>>)
      %mul3A_404 = arith.constant 200 : i32
      %mul3A_405 = arith.muli %add3A_373, %mul3A_404 : i32
      %add3A_406 = arith.addi %mul3A_2, %mul3A_405 : i32
      %dma_start3A_407 = arith.constant 1 : i32
      %dma_start3A_408 = arith.constant 0 : i32
      %dma_start3A_409 = arith.constant 0 : i32
      %dma_start3A_410 = tpu.memref_slice %arg8[%dma_start3A_407, %dma_start3A_408, %dma_start3A_409] : memref<4x200x128xf32, #tpu.memory_space<vmem>> -> memref<1x200x128xf32, #tpu.memory_space<vmem>>
      %dma_start3A_411 = tpu.memref_squeeze %dma_start3A_410 : memref<1x200x128xf32, #tpu.memory_space<vmem>> -> memref<200x128xf32, #tpu.memory_space<vmem>>
      %dma_start3A_412 = arith.constant 0 : i32
      %dma_start3A_413 = tpu.memref_slice %arg5[%add3A_406, %dma_start3A_412] : memref<204800x128xf32, #tpu.memory_space<hbm>> -> memref<200x128xf32, #tpu.memory_space<hbm>>
      %dma_start3A_414 = arith.constant 0 : i32
      %dma_start3A_415 = tpu.memref_slice %arg5[%add3A_406, %dma_start3A_414] : memref<204800x128xf32, #tpu.memory_space<hbm>> -> memref<200x128xf32, #tpu.memory_space<hbm>>
      %dma_start3A_416 = arith.constant 0 : i32
      %dma_start3A_417 = arith.constant 0 : i32
      %dma_start3A_418 = tpu.memref_slice %arg8[%dma_start3A_407, %dma_start3A_416, %dma_start3A_417] : memref<4x200x128xf32, #tpu.memory_space<vmem>> -> memref<1x200x128xf32, #tpu.memory_space<vmem>>
      %dma_start3A_419 = tpu.memref_squeeze %dma_start3A_418 : memref<1x200x128xf32, #tpu.memory_space<vmem>> -> memref<200x128xf32, #tpu.memory_space<vmem>>
      tpu.enqueue_dma source(%dma_start3A_419 : memref<200x128xf32, #tpu.memory_space<vmem>>) target(%dma_start3A_415 : memref<200x128xf32, #tpu.memory_space<hbm>>) target_semaphore(%arg14 : memref<!tpu.dma_semaphore, #tpu.memory_space<semaphore_mem>>)
      %mul3A_420 = arith.constant 4 : i32
      %mul3A_421 = arith.muli %scan3A_320, %mul3A_420 : i32
      %add3A_422 = arith.constant 2 : i32
      %add3A_423 = arith.addi %mul3A_421, %add3A_422 : i32
      %add3A_424 = arith.constant 1 : i32
      %add3A_425 = arith.addi %add3A_423, %add3A_424 : i32
      %lt3A_426 = arith.constant 32 : i32
      %lt3A_427 = arith.cmpi slt, %add3A_425, %lt3A_426 : i32
      %convert_element_type3A_428 = arith.extui %lt3A_427 : i1 to i32
      %cond3A_429 = arith.constant 0 : i32
      %cond3A_430 = arith.cmpi ne, %convert_element_type3A_428, %cond3A_429 : i32
      scf.if %cond3A_430 {
        %dma_wait3A_520 = arith.constant 3 : i32
        %dma_wait3A_521 = arith.constant 0 : i32
        %dma_wait3A_522 = arith.constant 0 : i32
        %dma_wait3A_523 = tpu.memref_slice %arg8[%dma_wait3A_520, %dma_wait3A_521, %dma_wait3A_522] : memref<4x200x128xf32, #tpu.memory_space<vmem>> -> memref<1x200x128xf32, #tpu.memory_space<vmem>>
        %dma_wait3A_524 = tpu.memref_squeeze %dma_wait3A_523 : memref<1x200x128xf32, #tpu.memory_space<vmem>> -> memref<200x128xf32, #tpu.memory_space<vmem>>
        %dma_wait3A_525 = arith.constant 0 : i32
        %dma_wait3A_526 = arith.constant 0 : i32
        %dma_wait3A_527 = tpu.memref_slice %arg8[%dma_wait3A_520, %dma_wait3A_525, %dma_wait3A_526] : memref<4x200x128xf32, #tpu.memory_space<vmem>> -> memref<1x200x128xf32, #tpu.memory_space<vmem>>
        %dma_wait3A_528 = tpu.memref_squeeze %dma_wait3A_527 : memref<1x200x128xf32, #tpu.memory_space<vmem>> -> memref<200x128xf32, #tpu.memory_space<vmem>>
        tpu.wait_dma2 semaphore(%arg17 : memref<!tpu.dma_semaphore, #tpu.memory_space<semaphore_mem>>) src(%arg7 : memref<200x128xf32, #tpu.memory_space<vmem_shared>>) dst(%dma_wait3A_528 : memref<200x128xf32, #tpu.memory_space<vmem>>)
        %add3A_529 = arith.constant 1 : i32
        %add3A_530 = arith.addi %add3A_423, %add3A_529 : i32
        %mul3A_531 = arith.constant 200 : i32
        %mul3A_532 = arith.muli %add3A_530, %mul3A_531 : i32
        %add3A_533 = arith.constant 0 : i32
        %add3A_534 = arith.addi %mul3A_532, %add3A_533 : i32
        %dma_start3A_535 = arith.constant 3 : i32
        %dma_start3A_536 = arith.constant 0 : i32
        %dma_start3A_537 = arith.constant 0 : i32
        %dma_start3A_538 = tpu.memref_slice %arg8[%dma_start3A_535, %dma_start3A_536, %dma_start3A_537] : memref<4x200x128xf32, #tpu.memory_space<vmem>> -> memref<1x200x128xf32, #tpu.memory_space<vmem>>
        %dma_start3A_539 = tpu.memref_squeeze %dma_start3A_538 : memref<1x200x128xf32, #tpu.memory_space<vmem>> -> memref<200x128xf32, #tpu.memory_space<vmem>>
        %dma_start3A_540 = arith.constant 0 : i32
        %dma_start3A_541 = arith.constant 0 : i32
        %dma_start3A_542 = tpu.memref_slice %dma_start3A_539[%dma_start3A_540, %dma_start3A_541] : memref<200x128xf32, #tpu.memory_space<vmem>> -> memref<200x128xf32, #tpu.memory_space<vmem>>
        %dma_start3A_543 = tpu.memref_slice %arg6[%add3A_534] : memref<6400xi32, #tpu.memory_space<vmem>> -> memref<200xi32, #tpu.memory_space<vmem>>
        %dma_start3A_544 = arith.constant 0 : i32
        %dma_start3A_545 = arith.constant 0 : i32
        %dma_start3A_546 = tpu.memref_slice %arg3[%dma_start3A_544, %dma_start3A_545] : memref<100000x128xf32, #tpu.memory_space<hbm>> -> memref<100000x128xf32, #tpu.memory_space<hbm>>
        tpu.enqueue_indirect_dma source(%dma_start3A_546 : memref<100000x128xf32, #tpu.memory_space<hbm>>) target(%dma_start3A_542 : memref<200x128xf32, #tpu.memory_space<vmem>>) offsets(%dma_start3A_543 : memref<200xi32, #tpu.memory_space<vmem>>) semaphore(%arg12 : memref<!tpu.dma_semaphore, #tpu.memory_space<semaphore_mem>>) {add = true}
      } else {
      }
      %add3A_431 = arith.constant 2 : i32
      %add3A_432 = arith.addi %add3A_423, %add3A_431 : i32
      %lt3A_433 = arith.constant 32 : i32
      %lt3A_434 = arith.cmpi slt, %add3A_432, %lt3A_433 : i32
      %convert_element_type3A_435 = arith.extui %lt3A_434 : i1 to i32
      %cond3A_436 = arith.constant 0 : i32
      %cond3A_437 = arith.cmpi ne, %convert_element_type3A_435, %cond3A_436 : i32
      scf.if %cond3A_437 {
        %ge3A = arith.constant 2 : i32
        %ge3A_520 = arith.cmpi sge, %add3A_423, %ge3A : i32
        %convert_element_type3A_521 = arith.extui %ge3A_520 : i1 to i32
        %cond3A_522 = arith.constant 0 : i32
        %cond3A_523 = arith.cmpi ne, %convert_element_type3A_521, %cond3A_522 : i32
        scf.if %cond3A_523 {
          %add3A_533 = arith.constant 2 : i32
          %add3A_534 = arith.addi %add3A_423, %add3A_533 : i32
          %sub3A = arith.constant 4 : i32
          %sub3A_535 = arith.subi %add3A_534, %sub3A : i32
          %mul3A_536 = arith.constant 200 : i32
          %mul3A_537 = arith.muli %sub3A_535, %mul3A_536 : i32
          %add3A_538 = arith.addi %mul3A_2, %mul3A_537 : i32
          %dma_wait3A_539 = arith.constant 0 : i32
          %dma_wait3A_540 = arith.constant 0 : i32
          %dma_wait3A_541 = arith.constant 0 : i32
          %dma_wait3A_542 = tpu.memref_slice %arg8[%dma_wait3A_539, %dma_wait3A_540, %dma_wait3A_541] : memref<4x200x128xf32, #tpu.memory_space<vmem>> -> memref<1x200x128xf32, #tpu.memory_space<vmem>>
          %dma_wait3A_543 = tpu.memref_squeeze %dma_wait3A_542 : memref<1x200x128xf32, #tpu.memory_space<vmem>> -> memref<200x128xf32, #tpu.memory_space<vmem>>
          %dma_wait3A_544 = arith.constant 0 : i32
          %dma_wait3A_545 = tpu.memref_slice %arg5[%add3A_538, %dma_wait3A_544] : memref<204800x128xf32, #tpu.memory_space<hbm>> -> memref<200x128xf32, #tpu.memory_space<hbm>>
          %dma_wait3A_546 = arith.constant 0 : i32
          %dma_wait3A_547 = tpu.memref_slice %arg5[%add3A_538, %dma_wait3A_546] : memref<204800x128xf32, #tpu.memory_space<hbm>> -> memref<200x128xf32, #tpu.memory_space<hbm>>
          %dma_wait3A_548 = arith.constant 0 : i32
          %dma_wait3A_549 = arith.constant 0 : i32
          %dma_wait3A_550 = tpu.memref_slice %arg8[%dma_wait3A_539, %dma_wait3A_548, %dma_wait3A_549] : memref<4x200x128xf32, #tpu.memory_space<vmem>> -> memref<1x200x128xf32, #tpu.memory_space<vmem>>
          %dma_wait3A_551 = tpu.memref_squeeze %dma_wait3A_550 : memref<1x200x128xf32, #tpu.memory_space<vmem>> -> memref<200x128xf32, #tpu.memory_space<vmem>>
          tpu.wait_dma2 semaphore(%arg13 : memref<!tpu.dma_semaphore, #tpu.memory_space<semaphore_mem>>) src(%dma_wait3A_551 : memref<200x128xf32, #tpu.memory_space<vmem>>) dst(%dma_wait3A_547 : memref<200x128xf32, #tpu.memory_space<hbm>>)
        } else {
        }
        %dma_start3A_524 = arith.constant 0 : i32
        %dma_start3A_525 = arith.constant 0 : i32
        %dma_start3A_526 = arith.constant 0 : i32
        %dma_start3A_527 = tpu.memref_slice %arg8[%dma_start3A_524, %dma_start3A_525, %dma_start3A_526] : memref<4x200x128xf32, #tpu.memory_space<vmem>> -> memref<1x200x128xf32, #tpu.memory_space<vmem>>
        %dma_start3A_528 = tpu.memref_squeeze %dma_start3A_527 : memref<1x200x128xf32, #tpu.memory_space<vmem>> -> memref<200x128xf32, #tpu.memory_space<vmem>>
        %dma_start3A_529 = arith.constant 0 : i32
        %dma_start3A_530 = arith.constant 0 : i32
        %dma_start3A_531 = tpu.memref_slice %arg8[%dma_start3A_524, %dma_start3A_529, %dma_start3A_530] : memref<4x200x128xf32, #tpu.memory_space<vmem>> -> memref<1x200x128xf32, #tpu.memory_space<vmem>>
        %dma_start3A_532 = tpu.memref_squeeze %dma_start3A_531 : memref<1x200x128xf32, #tpu.memory_space<vmem>> -> memref<200x128xf32, #tpu.memory_space<vmem>>
        tpu.enqueue_dma source(%arg7 : memref<200x128xf32, #tpu.memory_space<vmem_shared>>) target(%dma_start3A_532 : memref<200x128xf32, #tpu.memory_space<vmem>>) target_semaphore(%arg17 : memref<!tpu.dma_semaphore, #tpu.memory_space<semaphore_mem>>)
      } else {
      }
      %mul3A_438 = arith.constant 200 : i32
      %mul3A_439 = arith.muli %add3A_423, %mul3A_438 : i32
      %add3A_440 = arith.constant 0 : i32
      %add3A_441 = arith.addi %mul3A_439, %add3A_440 : i32
      %dma_wait3A_442 = arith.constant 2 : i32
      %dma_wait3A_443 = arith.constant 0 : i32
      %dma_wait3A_444 = arith.constant 0 : i32
      %dma_wait3A_445 = tpu.memref_slice %arg8[%dma_wait3A_442, %dma_wait3A_443, %dma_wait3A_444] : memref<4x200x128xf32, #tpu.memory_space<vmem>> -> memref<1x200x128xf32, #tpu.memory_space<vmem>>
      %dma_wait3A_446 = tpu.memref_squeeze %dma_wait3A_445 : memref<1x200x128xf32, #tpu.memory_space<vmem>> -> memref<200x128xf32, #tpu.memory_space<vmem>>
      %dma_wait3A_447 = arith.constant 0 : i32
      %dma_wait3A_448 = arith.constant 0 : i32
      %dma_wait3A_449 = tpu.memref_slice %dma_wait3A_446[%dma_wait3A_447, %dma_wait3A_448] : memref<200x128xf32, #tpu.memory_space<vmem>> -> memref<200x128xf32, #tpu.memory_space<vmem>>
      %dma_wait3A_450 = tpu.memref_slice %arg6[%add3A_441] : memref<6400xi32, #tpu.memory_space<vmem>> -> memref<200xi32, #tpu.memory_space<vmem>>
      %dma_wait3A_451 = arith.constant 0 : i32
      %dma_wait3A_452 = arith.constant 0 : i32
      %dma_wait3A_453 = tpu.memref_slice %arg3[%dma_wait3A_451, %dma_wait3A_452] : memref<100000x128xf32, #tpu.memory_space<hbm>> -> memref<100000x128xf32, #tpu.memory_space<hbm>>
      tpu.wait_indirect_dma semaphore(%arg11 : memref<!tpu.dma_semaphore, #tpu.memory_space<semaphore_mem>>) src(%dma_wait3A_453 : memref<100000x128xf32, #tpu.memory_space<hbm>>) dst(%dma_wait3A_449 : memref<200x128xf32, #tpu.memory_space<vmem>>)
      %mul3A_454 = arith.constant 200 : i32
      %mul3A_455 = arith.muli %add3A_423, %mul3A_454 : i32
      %add3A_456 = arith.addi %mul3A_2, %mul3A_455 : i32
      %dma_start3A_457 = arith.constant 2 : i32
      %dma_start3A_458 = arith.constant 0 : i32
      %dma_start3A_459 = arith.constant 0 : i32
      %dma_start3A_460 = tpu.memref_slice %arg8[%dma_start3A_457, %dma_start3A_458, %dma_start3A_459] : memref<4x200x128xf32, #tpu.memory_space<vmem>> -> memref<1x200x128xf32, #tpu.memory_space<vmem>>
      %dma_start3A_461 = tpu.memref_squeeze %dma_start3A_460 : memref<1x200x128xf32, #tpu.memory_space<vmem>> -> memref<200x128xf32, #tpu.memory_space<vmem>>
      %dma_start3A_462 = arith.constant 0 : i32
      %dma_start3A_463 = tpu.memref_slice %arg5[%add3A_456, %dma_start3A_462] : memref<204800x128xf32, #tpu.memory_space<hbm>> -> memref<200x128xf32, #tpu.memory_space<hbm>>
      %dma_start3A_464 = arith.constant 0 : i32
      %dma_start3A_465 = tpu.memref_slice %arg5[%add3A_456, %dma_start3A_464] : memref<204800x128xf32, #tpu.memory_space<hbm>> -> memref<200x128xf32, #tpu.memory_space<hbm>>
      %dma_start3A_466 = arith.constant 0 : i32
      %dma_start3A_467 = arith.constant 0 : i32
      %dma_start3A_468 = tpu.memref_slice %arg8[%dma_start3A_457, %dma_start3A_466, %dma_start3A_467] : memref<4x200x128xf32, #tpu.memory_space<vmem>> -> memref<1x200x128xf32, #tpu.memory_space<vmem>>
      %dma_start3A_469 = tpu.memref_squeeze %dma_start3A_468 : memref<1x200x128xf32, #tpu.memory_space<vmem>> -> memref<200x128xf32, #tpu.memory_space<vmem>>
      tpu.enqueue_dma source(%dma_start3A_469 : memref<200x128xf32, #tpu.memory_space<vmem>>) target(%dma_start3A_465 : memref<200x128xf32, #tpu.memory_space<hbm>>) target_semaphore(%arg15 : memref<!tpu.dma_semaphore, #tpu.memory_space<semaphore_mem>>)
      %mul3A_470 = arith.constant 4 : i32
      %mul3A_471 = arith.muli %scan3A_320, %mul3A_470 : i32
      %add3A_472 = arith.constant 3 : i32
      %add3A_473 = arith.addi %mul3A_471, %add3A_472 : i32
      %add3A_474 = arith.constant 1 : i32
      %add3A_475 = arith.addi %add3A_473, %add3A_474 : i32
      %lt3A_476 = arith.constant 32 : i32
      %lt3A_477 = arith.cmpi slt, %add3A_475, %lt3A_476 : i32
      %convert_element_type3A_478 = arith.extui %lt3A_477 : i1 to i32
      %cond3A_479 = arith.constant 0 : i32
      %cond3A_480 = arith.cmpi ne, %convert_element_type3A_478, %cond3A_479 : i32
      scf.if %cond3A_480 {
        %dma_wait3A_520 = arith.constant 0 : i32
        %dma_wait3A_521 = arith.constant 0 : i32
        %dma_wait3A_522 = arith.constant 0 : i32
        %dma_wait3A_523 = tpu.memref_slice %arg8[%dma_wait3A_520, %dma_wait3A_521, %dma_wait3A_522] : memref<4x200x128xf32, #tpu.memory_space<vmem>> -> memref<1x200x128xf32, #tpu.memory_space<vmem>>
        %dma_wait3A_524 = tpu.memref_squeeze %dma_wait3A_523 : memref<1x200x128xf32, #tpu.memory_space<vmem>> -> memref<200x128xf32, #tpu.memory_space<vmem>>
        %dma_wait3A_525 = arith.constant 0 : i32
        %dma_wait3A_526 = arith.constant 0 : i32
        %dma_wait3A_527 = tpu.memref_slice %arg8[%dma_wait3A_520, %dma_wait3A_525, %dma_wait3A_526] : memref<4x200x128xf32, #tpu.memory_space<vmem>> -> memref<1x200x128xf32, #tpu.memory_space<vmem>>
        %dma_wait3A_528 = tpu.memref_squeeze %dma_wait3A_527 : memref<1x200x128xf32, #tpu.memory_space<vmem>> -> memref<200x128xf32, #tpu.memory_space<vmem>>
        tpu.wait_dma2 semaphore(%arg17 : memref<!tpu.dma_semaphore, #tpu.memory_space<semaphore_mem>>) src(%arg7 : memref<200x128xf32, #tpu.memory_space<vmem_shared>>) dst(%dma_wait3A_528 : memref<200x128xf32, #tpu.memory_space<vmem>>)
        %add3A_529 = arith.constant 1 : i32
        %add3A_530 = arith.addi %add3A_473, %add3A_529 : i32
        %mul3A_531 = arith.constant 200 : i32
        %mul3A_532 = arith.muli %add3A_530, %mul3A_531 : i32
        %add3A_533 = arith.constant 0 : i32
        %add3A_534 = arith.addi %mul3A_532, %add3A_533 : i32
        %dma_start3A_535 = arith.constant 0 : i32
        %dma_start3A_536 = arith.constant 0 : i32
        %dma_start3A_537 = arith.constant 0 : i32
        %dma_start3A_538 = tpu.memref_slice %arg8[%dma_start3A_535, %dma_start3A_536, %dma_start3A_537] : memref<4x200x128xf32, #tpu.memory_space<vmem>> -> memref<1x200x128xf32, #tpu.memory_space<vmem>>
        %dma_start3A_539 = tpu.memref_squeeze %dma_start3A_538 : memref<1x200x128xf32, #tpu.memory_space<vmem>> -> memref<200x128xf32, #tpu.memory_space<vmem>>
        %dma_start3A_540 = arith.constant 0 : i32
        %dma_start3A_541 = arith.constant 0 : i32
        %dma_start3A_542 = tpu.memref_slice %dma_start3A_539[%dma_start3A_540, %dma_start3A_541] : memref<200x128xf32, #tpu.memory_space<vmem>> -> memref<200x128xf32, #tpu.memory_space<vmem>>
        %dma_start3A_543 = tpu.memref_slice %arg6[%add3A_534] : memref<6400xi32, #tpu.memory_space<vmem>> -> memref<200xi32, #tpu.memory_space<vmem>>
        %dma_start3A_544 = arith.constant 0 : i32
        %dma_start3A_545 = arith.constant 0 : i32
        %dma_start3A_546 = tpu.memref_slice %arg3[%dma_start3A_544, %dma_start3A_545] : memref<100000x128xf32, #tpu.memory_space<hbm>> -> memref<100000x128xf32, #tpu.memory_space<hbm>>
        tpu.enqueue_indirect_dma source(%dma_start3A_546 : memref<100000x128xf32, #tpu.memory_space<hbm>>) target(%dma_start3A_542 : memref<200x128xf32, #tpu.memory_space<vmem>>) offsets(%dma_start3A_543 : memref<200xi32, #tpu.memory_space<vmem>>) semaphore(%arg9 : memref<!tpu.dma_semaphore, #tpu.memory_space<semaphore_mem>>) {add = true}
      } else {
      }
      %add3A_481 = arith.constant 2 : i32
      %add3A_482 = arith.addi %add3A_473, %add3A_481 : i32
      %lt3A_483 = arith.constant 32 : i32
      %lt3A_484 = arith.cmpi slt, %add3A_482, %lt3A_483 : i32
      %convert_element_type3A_485 = arith.extui %lt3A_484 : i1 to i32
      %cond3A_486 = arith.constant 0 : i32
      %cond3A_487 = arith.cmpi ne, %convert_element_type3A_485, %cond3A_486 : i32
      scf.if %cond3A_487 {
        %ge3A = arith.constant 2 : i32
        %ge3A_520 = arith.cmpi sge, %add3A_473, %ge3A : i32
        %convert_element_type3A_521 = arith.extui %ge3A_520 : i1 to i32
        %cond3A_522 = arith.constant 0 : i32
        %cond3A_523 = arith.cmpi ne, %convert_element_type3A_521, %cond3A_522 : i32
        scf.if %cond3A_523 {
          %add3A_533 = arith.constant 2 : i32
          %add3A_534 = arith.addi %add3A_473, %add3A_533 : i32
          %sub3A = arith.constant 4 : i32
          %sub3A_535 = arith.subi %add3A_534, %sub3A : i32
          %mul3A_536 = arith.constant 200 : i32
          %mul3A_537 = arith.muli %sub3A_535, %mul3A_536 : i32
          %add3A_538 = arith.addi %mul3A_2, %mul3A_537 : i32
          %dma_wait3A_539 = arith.constant 1 : i32
          %dma_wait3A_540 = arith.constant 0 : i32
          %dma_wait3A_541 = arith.constant 0 : i32
          %dma_wait3A_542 = tpu.memref_slice %arg8[%dma_wait3A_539, %dma_wait3A_540, %dma_wait3A_541] : memref<4x200x128xf32, #tpu.memory_space<vmem>> -> memref<1x200x128xf32, #tpu.memory_space<vmem>>
          %dma_wait3A_543 = tpu.memref_squeeze %dma_wait3A_542 : memref<1x200x128xf32, #tpu.memory_space<vmem>> -> memref<200x128xf32, #tpu.memory_space<vmem>>
          %dma_wait3A_544 = arith.constant 0 : i32
          %dma_wait3A_545 = tpu.memref_slice %arg5[%add3A_538, %dma_wait3A_544] : memref<204800x128xf32, #tpu.memory_space<hbm>> -> memref<200x128xf32, #tpu.memory_space<hbm>>
          %dma_wait3A_546 = arith.constant 0 : i32
          %dma_wait3A_547 = tpu.memref_slice %arg5[%add3A_538, %dma_wait3A_546] : memref<204800x128xf32, #tpu.memory_space<hbm>> -> memref<200x128xf32, #tpu.memory_space<hbm>>
          %dma_wait3A_548 = arith.constant 0 : i32
          %dma_wait3A_549 = arith.constant 0 : i32
          %dma_wait3A_550 = tpu.memref_slice %arg8[%dma_wait3A_539, %dma_wait3A_548, %dma_wait3A_549] : memref<4x200x128xf32, #tpu.memory_space<vmem>> -> memref<1x200x128xf32, #tpu.memory_space<vmem>>
          %dma_wait3A_551 = tpu.memref_squeeze %dma_wait3A_550 : memref<1x200x128xf32, #tpu.memory_space<vmem>> -> memref<200x128xf32, #tpu.memory_space<vmem>>
          tpu.wait_dma2 semaphore(%arg14 : memref<!tpu.dma_semaphore, #tpu.memory_space<semaphore_mem>>) src(%dma_wait3A_551 : memref<200x128xf32, #tpu.memory_space<vmem>>) dst(%dma_wait3A_547 : memref<200x128xf32, #tpu.memory_space<hbm>>)
        } else {
        }
        %dma_start3A_524 = arith.constant 1 : i32
        %dma_start3A_525 = arith.constant 0 : i32
        %dma_start3A_526 = arith.constant 0 : i32
        %dma_start3A_527 = tpu.memref_slice %arg8[%dma_start3A_524, %dma_start3A_525, %dma_start3A_526] : memref<4x200x128xf32, #tpu.memory_space<vmem>> -> memref<1x200x128xf32, #tpu.memory_space<vmem>>
        %dma_start3A_528 = tpu.memref_squeeze %dma_start3A_527 : memref<1x200x128xf32, #tpu.memory_space<vmem>> -> memref<200x128xf32, #tpu.memory_space<vmem>>
        %dma_start3A_529 = arith.constant 0 : i32
        %dma_start3A_530 = arith.constant 0 : i32
        %dma_start3A_531 = tpu.memref_slice %arg8[%dma_start3A_524, %dma_start3A_529, %dma_start3A_530] : memref<4x200x128xf32, #tpu.memory_space<vmem>> -> memref<1x200x128xf32, #tpu.memory_space<vmem>>
        %dma_start3A_532 = tpu.memref_squeeze %dma_start3A_531 : memref<1x200x128xf32, #tpu.memory_space<vmem>> -> memref<200x128xf32, #tpu.memory_space<vmem>>
        tpu.enqueue_dma source(%arg7 : memref<200x128xf32, #tpu.memory_space<vmem_shared>>) target(%dma_start3A_532 : memref<200x128xf32, #tpu.memory_space<vmem>>) target_semaphore(%arg17 : memref<!tpu.dma_semaphore, #tpu.memory_space<semaphore_mem>>)
      } else {
      }
      %mul3A_488 = arith.constant 200 : i32
      %mul3A_489 = arith.muli %add3A_473, %mul3A_488 : i32
      %add3A_490 = arith.constant 0 : i32
      %add3A_491 = arith.addi %mul3A_489, %add3A_490 : i32
      %dma_wait3A_492 = arith.constant 3 : i32
      %dma_wait3A_493 = arith.constant 0 : i32
      %dma_wait3A_494 = arith.constant 0 : i32
      %dma_wait3A_495 = tpu.memref_slice %arg8[%dma_wait3A_492, %dma_wait3A_493, %dma_wait3A_494] : memref<4x200x128xf32, #tpu.memory_space<vmem>> -> memref<1x200x128xf32, #tpu.memory_space<vmem>>
      %dma_wait3A_496 = tpu.memref_squeeze %dma_wait3A_495 : memref<1x200x128xf32, #tpu.memory_space<vmem>> -> memref<200x128xf32, #tpu.memory_space<vmem>>
      %dma_wait3A_497 = arith.constant 0 : i32
      %dma_wait3A_498 = arith.constant 0 : i32
      %dma_wait3A_499 = tpu.memref_slice %dma_wait3A_496[%dma_wait3A_497, %dma_wait3A_498] : memref<200x128xf32, #tpu.memory_space<vmem>> -> memref<200x128xf32, #tpu.memory_space<vmem>>
      %dma_wait3A_500 = tpu.memref_slice %arg6[%add3A_491] : memref<6400xi32, #tpu.memory_space<vmem>> -> memref<200xi32, #tpu.memory_space<vmem>>
      %dma_wait3A_501 = arith.constant 0 : i32
      %dma_wait3A_502 = arith.constant 0 : i32
      %dma_wait3A_503 = tpu.memref_slice %arg3[%dma_wait3A_501, %dma_wait3A_502] : memref<100000x128xf32, #tpu.memory_space<hbm>> -> memref<100000x128xf32, #tpu.memory_space<hbm>>
      tpu.wait_indirect_dma semaphore(%arg12 : memref<!tpu.dma_semaphore, #tpu.memory_space<semaphore_mem>>) src(%dma_wait3A_503 : memref<100000x128xf32, #tpu.memory_space<hbm>>) dst(%dma_wait3A_499 : memref<200x128xf32, #tpu.memory_space<vmem>>)
      %mul3A_504 = arith.constant 200 : i32
      %mul3A_505 = arith.muli %add3A_473, %mul3A_504 : i32
      %add3A_506 = arith.addi %mul3A_2, %mul3A_505 : i32
      %dma_start3A_507 = arith.constant 3 : i32
      %dma_start3A_508 = arith.constant 0 : i32
      %dma_start3A_509 = arith.constant 0 : i32
      %dma_start3A_510 = tpu.memref_slice %arg8[%dma_start3A_507, %dma_start3A_508, %dma_start3A_509] : memref<4x200x128xf32, #tpu.memory_space<vmem>> -> memref<1x200x128xf32, #tpu.memory_space<vmem>>
      %dma_start3A_511 = tpu.memref_squeeze %dma_start3A_510 : memref<1x200x128xf32, #tpu.memory_space<vmem>> -> memref<200x128xf32, #tpu.memory_space<vmem>>
      %dma_start3A_512 = arith.constant 0 : i32
      %dma_start3A_513 = tpu.memref_slice %arg5[%add3A_506, %dma_start3A_512] : memref<204800x128xf32, #tpu.memory_space<hbm>> -> memref<200x128xf32, #tpu.memory_space<hbm>>
      %dma_start3A_514 = arith.constant 0 : i32
      %dma_start3A_515 = tpu.memref_slice %arg5[%add3A_506, %dma_start3A_514] : memref<204800x128xf32, #tpu.memory_space<hbm>> -> memref<200x128xf32, #tpu.memory_space<hbm>>
      %dma_start3A_516 = arith.constant 0 : i32
      %dma_start3A_517 = arith.constant 0 : i32
      %dma_start3A_518 = tpu.memref_slice %arg8[%dma_start3A_507, %dma_start3A_516, %dma_start3A_517] : memref<4x200x128xf32, #tpu.memory_space<vmem>> -> memref<1x200x128xf32, #tpu.memory_space<vmem>>
      %dma_start3A_519 = tpu.memref_squeeze %dma_start3A_518 : memref<1x200x128xf32, #tpu.memory_space<vmem>> -> memref<200x128xf32, #tpu.memory_space<vmem>>
      tpu.enqueue_dma source(%dma_start3A_519 : memref<200x128xf32, #tpu.memory_space<vmem>>) target(%dma_start3A_515 : memref<200x128xf32, #tpu.memory_space<hbm>>) target_semaphore(%arg16 : memref<!tpu.dma_semaphore, #tpu.memory_space<semaphore_mem>>)
    }
    %scan3A_33 = arith.constant 7 : i32
    %dma_wait3A_34 = arith.constant 1 : i32
    %dma_wait3A_35 = arith.constant 0 : i32
    %dma_wait3A_36 = arith.constant 0 : i32
    %dma_wait3A_37 = tpu.memref_slice %arg8[%dma_wait3A_34, %dma_wait3A_35, %dma_wait3A_36] : memref<4x200x128xf32, #tpu.memory_space<vmem>> -> memref<1x200x128xf32, #tpu.memory_space<vmem>>
    %dma_wait3A_38 = tpu.memref_squeeze %dma_wait3A_37 : memref<1x200x128xf32, #tpu.memory_space<vmem>> -> memref<200x128xf32, #tpu.memory_space<vmem>>
    %dma_wait3A_39 = arith.constant 0 : i32
    %dma_wait3A_40 = arith.constant 0 : i32
    %dma_wait3A_41 = tpu.memref_slice %arg8[%dma_wait3A_34, %dma_wait3A_39, %dma_wait3A_40] : memref<4x200x128xf32, #tpu.memory_space<vmem>> -> memref<1x200x128xf32, #tpu.memory_space<vmem>>
    %dma_wait3A_42 = tpu.memref_squeeze %dma_wait3A_41 : memref<1x200x128xf32, #tpu.memory_space<vmem>> -> memref<200x128xf32, #tpu.memory_space<vmem>>
    tpu.wait_dma2 semaphore(%arg17 : memref<!tpu.dma_semaphore, #tpu.memory_space<semaphore_mem>>) src(%arg7 : memref<200x128xf32, #tpu.memory_space<vmem_shared>>) dst(%dma_wait3A_42 : memref<200x128xf32, #tpu.memory_space<vmem>>)
    %dma_start3A_43 = arith.constant 1 : i32
    %dma_start3A_44 = arith.constant 0 : i32
    %dma_start3A_45 = arith.constant 0 : i32
    %dma_start3A_46 = tpu.memref_slice %arg8[%dma_start3A_43, %dma_start3A_44, %dma_start3A_45] : memref<4x200x128xf32, #tpu.memory_space<vmem>> -> memref<1x200x128xf32, #tpu.memory_space<vmem>>
    %dma_start3A_47 = tpu.memref_squeeze %dma_start3A_46 : memref<1x200x128xf32, #tpu.memory_space<vmem>> -> memref<200x128xf32, #tpu.memory_space<vmem>>
    %dma_start3A_48 = arith.constant 0 : i32
    %dma_start3A_49 = arith.constant 0 : i32
    %dma_start3A_50 = tpu.memref_slice %dma_start3A_47[%dma_start3A_48, %dma_start3A_49] : memref<200x128xf32, #tpu.memory_space<vmem>> -> memref<200x128xf32, #tpu.memory_space<vmem>>
    %dma_start3A_51 = arith.constant 5800 : i32
    %dma_start3A_52 = tpu.memref_slice %arg6[%dma_start3A_51] : memref<6400xi32, #tpu.memory_space<vmem>> -> memref<200xi32, #tpu.memory_space<vmem>>
    %dma_start3A_53 = arith.constant 0 : i32
    %dma_start3A_54 = arith.constant 0 : i32
    %dma_start3A_55 = tpu.memref_slice %arg3[%dma_start3A_53, %dma_start3A_54] : memref<100000x128xf32, #tpu.memory_space<hbm>> -> memref<100000x128xf32, #tpu.memory_space<hbm>>
    tpu.enqueue_indirect_dma source(%dma_start3A_55 : memref<100000x128xf32, #tpu.memory_space<hbm>>) target(%dma_start3A_50 : memref<200x128xf32, #tpu.memory_space<vmem>>) offsets(%dma_start3A_52 : memref<200xi32, #tpu.memory_space<vmem>>) semaphore(%arg10 : memref<!tpu.dma_semaphore, #tpu.memory_space<semaphore_mem>>) {add = true}
    %add3A_56 = arith.constant 5200 : i32
    %add3A_57 = arith.addi %mul3A_2, %add3A_56 : i32
    %dma_wait3A_58 = arith.constant 2 : i32
    %dma_wait3A_59 = arith.constant 0 : i32
    %dma_wait3A_60 = arith.constant 0 : i32
    %dma_wait3A_61 = tpu.memref_slice %arg8[%dma_wait3A_58, %dma_wait3A_59, %dma_wait3A_60] : memref<4x200x128xf32, #tpu.memory_space<vmem>> -> memref<1x200x128xf32, #tpu.memory_space<vmem>>
    %dma_wait3A_62 = tpu.memref_squeeze %dma_wait3A_61 : memref<1x200x128xf32, #tpu.memory_space<vmem>> -> memref<200x128xf32, #tpu.memory_space<vmem>>
    %dma_wait3A_63 = arith.constant 0 : i32
    %dma_wait3A_64 = tpu.memref_slice %arg5[%add3A_57, %dma_wait3A_63] : memref<204800x128xf32, #tpu.memory_space<hbm>> -> memref<200x128xf32, #tpu.memory_space<hbm>>
    %dma_wait3A_65 = arith.constant 0 : i32
    %dma_wait3A_66 = tpu.memref_slice %arg5[%add3A_57, %dma_wait3A_65] : memref<204800x128xf32, #tpu.memory_space<hbm>> -> memref<200x128xf32, #tpu.memory_space<hbm>>
    %dma_wait3A_67 = arith.constant 0 : i32
    %dma_wait3A_68 = arith.constant 0 : i32
    %dma_wait3A_69 = tpu.memref_slice %arg8[%dma_wait3A_58, %dma_wait3A_67, %dma_wait3A_68] : memref<4x200x128xf32, #tpu.memory_space<vmem>> -> memref<1x200x128xf32, #tpu.memory_space<vmem>>
    %dma_wait3A_70 = tpu.memref_squeeze %dma_wait3A_69 : memref<1x200x128xf32, #tpu.memory_space<vmem>> -> memref<200x128xf32, #tpu.memory_space<vmem>>
    tpu.wait_dma2 semaphore(%arg15 : memref<!tpu.dma_semaphore, #tpu.memory_space<semaphore_mem>>) src(%dma_wait3A_70 : memref<200x128xf32, #tpu.memory_space<vmem>>) dst(%dma_wait3A_66 : memref<200x128xf32, #tpu.memory_space<hbm>>)
    %dma_start3A_71 = arith.constant 2 : i32
    %dma_start3A_72 = arith.constant 0 : i32
    %dma_start3A_73 = arith.constant 0 : i32
    %dma_start3A_74 = tpu.memref_slice %arg8[%dma_start3A_71, %dma_start3A_72, %dma_start3A_73] : memref<4x200x128xf32, #tpu.memory_space<vmem>> -> memref<1x200x128xf32, #tpu.memory_space<vmem>>
    %dma_start3A_75 = tpu.memref_squeeze %dma_start3A_74 : memref<1x200x128xf32, #tpu.memory_space<vmem>> -> memref<200x128xf32, #tpu.memory_space<vmem>>
    %dma_start3A_76 = arith.constant 0 : i32
    %dma_start3A_77 = arith.constant 0 : i32
    %dma_start3A_78 = tpu.memref_slice %arg8[%dma_start3A_71, %dma_start3A_76, %dma_start3A_77] : memref<4x200x128xf32, #tpu.memory_space<vmem>> -> memref<1x200x128xf32, #tpu.memory_space<vmem>>
    %dma_start3A_79 = tpu.memref_squeeze %dma_start3A_78 : memref<1x200x128xf32, #tpu.memory_space<vmem>> -> memref<200x128xf32, #tpu.memory_space<vmem>>
    tpu.enqueue_dma source(%arg7 : memref<200x128xf32, #tpu.memory_space<vmem_shared>>) target(%dma_start3A_79 : memref<200x128xf32, #tpu.memory_space<vmem>>) target_semaphore(%arg17 : memref<!tpu.dma_semaphore, #tpu.memory_space<semaphore_mem>>)
    %dma_wait3A_80 = arith.constant 0 : i32
    %dma_wait3A_81 = arith.constant 0 : i32
    %dma_wait3A_82 = arith.constant 0 : i32
    %dma_wait3A_83 = tpu.memref_slice %arg8[%dma_wait3A_80, %dma_wait3A_81, %dma_wait3A_82] : memref<4x200x128xf32, #tpu.memory_space<vmem>> -> memref<1x200x128xf32, #tpu.memory_space<vmem>>
    %dma_wait3A_84 = tpu.memref_squeeze %dma_wait3A_83 : memref<1x200x128xf32, #tpu.memory_space<vmem>> -> memref<200x128xf32, #tpu.memory_space<vmem>>
    %dma_wait3A_85 = arith.constant 0 : i32
    %dma_wait3A_86 = arith.constant 0 : i32
    %dma_wait3A_87 = tpu.memref_slice %dma_wait3A_84[%dma_wait3A_85, %dma_wait3A_86] : memref<200x128xf32, #tpu.memory_space<vmem>> -> memref<200x128xf32, #tpu.memory_space<vmem>>
    %dma_wait3A_88 = arith.constant 5600 : i32
    %dma_wait3A_89 = tpu.memref_slice %arg6[%dma_wait3A_88] : memref<6400xi32, #tpu.memory_space<vmem>> -> memref<200xi32, #tpu.memory_space<vmem>>
    %dma_wait3A_90 = arith.constant 0 : i32
    %dma_wait3A_91 = arith.constant 0 : i32
    %dma_wait3A_92 = tpu.memref_slice %arg3[%dma_wait3A_90, %dma_wait3A_91] : memref<100000x128xf32, #tpu.memory_space<hbm>> -> memref<100000x128xf32, #tpu.memory_space<hbm>>
    tpu.wait_indirect_dma semaphore(%arg9 : memref<!tpu.dma_semaphore, #tpu.memory_space<semaphore_mem>>) src(%dma_wait3A_92 : memref<100000x128xf32, #tpu.memory_space<hbm>>) dst(%dma_wait3A_87 : memref<200x128xf32, #tpu.memory_space<vmem>>)
    %add3A_93 = arith.constant 5600 : i32
    %add3A_94 = arith.addi %mul3A_2, %add3A_93 : i32
    %dma_start3A_95 = arith.constant 0 : i32
    %dma_start3A_96 = arith.constant 0 : i32
    %dma_start3A_97 = arith.constant 0 : i32
    %dma_start3A_98 = tpu.memref_slice %arg8[%dma_start3A_95, %dma_start3A_96, %dma_start3A_97] : memref<4x200x128xf32, #tpu.memory_space<vmem>> -> memref<1x200x128xf32, #tpu.memory_space<vmem>>
    %dma_start3A_99 = tpu.memref_squeeze %dma_start3A_98 : memref<1x200x128xf32, #tpu.memory_space<vmem>> -> memref<200x128xf32, #tpu.memory_space<vmem>>
    %dma_start3A_100 = arith.constant 0 : i32
    %dma_start3A_101 = tpu.memref_slice %arg5[%add3A_94, %dma_start3A_100] : memref<204800x128xf32, #tpu.memory_space<hbm>> -> memref<200x128xf32, #tpu.memory_space<hbm>>
    %dma_start3A_102 = arith.constant 0 : i32
    %dma_start3A_103 = tpu.memref_slice %arg5[%add3A_94, %dma_start3A_102] : memref<204800x128xf32, #tpu.memory_space<hbm>> -> memref<200x128xf32, #tpu.memory_space<hbm>>
    %dma_start3A_104 = arith.constant 0 : i32
    %dma_start3A_105 = arith.constant 0 : i32
    %dma_start3A_106 = tpu.memref_slice %arg8[%dma_start3A_95, %dma_start3A_104, %dma_start3A_105] : memref<4x200x128xf32, #tpu.memory_space<vmem>> -> memref<1x200x128xf32, #tpu.memory_space<vmem>>
    %dma_start3A_107 = tpu.memref_squeeze %dma_start3A_106 : memref<1x200x128xf32, #tpu.memory_space<vmem>> -> memref<200x128xf32, #tpu.memory_space<vmem>>
    tpu.enqueue_dma source(%dma_start3A_107 : memref<200x128xf32, #tpu.memory_space<vmem>>) target(%dma_start3A_103 : memref<200x128xf32, #tpu.memory_space<hbm>>) target_semaphore(%arg13 : memref<!tpu.dma_semaphore, #tpu.memory_space<semaphore_mem>>)
    %dma_wait3A_108 = arith.constant 2 : i32
    %dma_wait3A_109 = arith.constant 0 : i32
    %dma_wait3A_110 = arith.constant 0 : i32
    %dma_wait3A_111 = tpu.memref_slice %arg8[%dma_wait3A_108, %dma_wait3A_109, %dma_wait3A_110] : memref<4x200x128xf32, #tpu.memory_space<vmem>> -> memref<1x200x128xf32, #tpu.memory_space<vmem>>
    %dma_wait3A_112 = tpu.memref_squeeze %dma_wait3A_111 : memref<1x200x128xf32, #tpu.memory_space<vmem>> -> memref<200x128xf32, #tpu.memory_space<vmem>>
    %dma_wait3A_113 = arith.constant 0 : i32
    %dma_wait3A_114 = arith.constant 0 : i32
    %dma_wait3A_115 = tpu.memref_slice %arg8[%dma_wait3A_108, %dma_wait3A_113, %dma_wait3A_114] : memref<4x200x128xf32, #tpu.memory_space<vmem>> -> memref<1x200x128xf32, #tpu.memory_space<vmem>>
    %dma_wait3A_116 = tpu.memref_squeeze %dma_wait3A_115 : memref<1x200x128xf32, #tpu.memory_space<vmem>> -> memref<200x128xf32, #tpu.memory_space<vmem>>
    tpu.wait_dma2 semaphore(%arg17 : memref<!tpu.dma_semaphore, #tpu.memory_space<semaphore_mem>>) src(%arg7 : memref<200x128xf32, #tpu.memory_space<vmem_shared>>) dst(%dma_wait3A_116 : memref<200x128xf32, #tpu.memory_space<vmem>>)
    %dma_start3A_117 = arith.constant 2 : i32
    %dma_start3A_118 = arith.constant 0 : i32
    %dma_start3A_119 = arith.constant 0 : i32
    %dma_start3A_120 = tpu.memref_slice %arg8[%dma_start3A_117, %dma_start3A_118, %dma_start3A_119] : memref<4x200x128xf32, #tpu.memory_space<vmem>> -> memref<1x200x128xf32, #tpu.memory_space<vmem>>
    %dma_start3A_121 = tpu.memref_squeeze %dma_start3A_120 : memref<1x200x128xf32, #tpu.memory_space<vmem>> -> memref<200x128xf32, #tpu.memory_space<vmem>>
    %dma_start3A_122 = arith.constant 0 : i32
    %dma_start3A_123 = arith.constant 0 : i32
    %dma_start3A_124 = tpu.memref_slice %dma_start3A_121[%dma_start3A_122, %dma_start3A_123] : memref<200x128xf32, #tpu.memory_space<vmem>> -> memref<200x128xf32, #tpu.memory_space<vmem>>
    %dma_start3A_125 = arith.constant 6000 : i32
    %dma_start3A_126 = tpu.memref_slice %arg6[%dma_start3A_125] : memref<6400xi32, #tpu.memory_space<vmem>> -> memref<200xi32, #tpu.memory_space<vmem>>
    %dma_start3A_127 = arith.constant 0 : i32
    %dma_start3A_128 = arith.constant 0 : i32
    %dma_start3A_129 = tpu.memref_slice %arg3[%dma_start3A_127, %dma_start3A_128] : memref<100000x128xf32, #tpu.memory_space<hbm>> -> memref<100000x128xf32, #tpu.memory_space<hbm>>
    tpu.enqueue_indirect_dma source(%dma_start3A_129 : memref<100000x128xf32, #tpu.memory_space<hbm>>) target(%dma_start3A_124 : memref<200x128xf32, #tpu.memory_space<vmem>>) offsets(%dma_start3A_126 : memref<200xi32, #tpu.memory_space<vmem>>) semaphore(%arg11 : memref<!tpu.dma_semaphore, #tpu.memory_space<semaphore_mem>>) {add = true}
    %add3A_130 = arith.constant 5400 : i32
    %add3A_131 = arith.addi %mul3A_2, %add3A_130 : i32
    %dma_wait3A_132 = arith.constant 3 : i32
    %dma_wait3A_133 = arith.constant 0 : i32
    %dma_wait3A_134 = arith.constant 0 : i32
    %dma_wait3A_135 = tpu.memref_slice %arg8[%dma_wait3A_132, %dma_wait3A_133, %dma_wait3A_134] : memref<4x200x128xf32, #tpu.memory_space<vmem>> -> memref<1x200x128xf32, #tpu.memory_space<vmem>>
    %dma_wait3A_136 = tpu.memref_squeeze %dma_wait3A_135 : memref<1x200x128xf32, #tpu.memory_space<vmem>> -> memref<200x128xf32, #tpu.memory_space<vmem>>
    %dma_wait3A_137 = arith.constant 0 : i32
    %dma_wait3A_138 = tpu.memref_slice %arg5[%add3A_131, %dma_wait3A_137] : memref<204800x128xf32, #tpu.memory_space<hbm>> -> memref<200x128xf32, #tpu.memory_space<hbm>>
    %dma_wait3A_139 = arith.constant 0 : i32
    %dma_wait3A_140 = tpu.memref_slice %arg5[%add3A_131, %dma_wait3A_139] : memref<204800x128xf32, #tpu.memory_space<hbm>> -> memref<200x128xf32, #tpu.memory_space<hbm>>
    %dma_wait3A_141 = arith.constant 0 : i32
    %dma_wait3A_142 = arith.constant 0 : i32
    %dma_wait3A_143 = tpu.memref_slice %arg8[%dma_wait3A_132, %dma_wait3A_141, %dma_wait3A_142] : memref<4x200x128xf32, #tpu.memory_space<vmem>> -> memref<1x200x128xf32, #tpu.memory_space<vmem>>
    %dma_wait3A_144 = tpu.memref_squeeze %dma_wait3A_143 : memref<1x200x128xf32, #tpu.memory_space<vmem>> -> memref<200x128xf32, #tpu.memory_space<vmem>>
    tpu.wait_dma2 semaphore(%arg16 : memref<!tpu.dma_semaphore, #tpu.memory_space<semaphore_mem>>) src(%dma_wait3A_144 : memref<200x128xf32, #tpu.memory_space<vmem>>) dst(%dma_wait3A_140 : memref<200x128xf32, #tpu.memory_space<hbm>>)
    %dma_start3A_145 = arith.constant 3 : i32
    %dma_start3A_146 = arith.constant 0 : i32
    %dma_start3A_147 = arith.constant 0 : i32
    %dma_start3A_148 = tpu.memref_slice %arg8[%dma_start3A_145, %dma_start3A_146, %dma_start3A_147] : memref<4x200x128xf32, #tpu.memory_space<vmem>> -> memref<1x200x128xf32, #tpu.memory_space<vmem>>
    %dma_start3A_149 = tpu.memref_squeeze %dma_start3A_148 : memref<1x200x128xf32, #tpu.memory_space<vmem>> -> memref<200x128xf32, #tpu.memory_space<vmem>>
    %dma_start3A_150 = arith.constant 0 : i32
    %dma_start3A_151 = arith.constant 0 : i32
    %dma_start3A_152 = tpu.memref_slice %arg8[%dma_start3A_145, %dma_start3A_150, %dma_start3A_151] : memref<4x200x128xf32, #tpu.memory_space<vmem>> -> memref<1x200x128xf32, #tpu.memory_space<vmem>>
    %dma_start3A_153 = tpu.memref_squeeze %dma_start3A_152 : memref<1x200x128xf32, #tpu.memory_space<vmem>> -> memref<200x128xf32, #tpu.memory_space<vmem>>
    tpu.enqueue_dma source(%arg7 : memref<200x128xf32, #tpu.memory_space<vmem_shared>>) target(%dma_start3A_153 : memref<200x128xf32, #tpu.memory_space<vmem>>) target_semaphore(%arg17 : memref<!tpu.dma_semaphore, #tpu.memory_space<semaphore_mem>>)
    %dma_wait3A_154 = arith.constant 1 : i32
    %dma_wait3A_155 = arith.constant 0 : i32
    %dma_wait3A_156 = arith.constant 0 : i32
    %dma_wait3A_157 = tpu.memref_slice %arg8[%dma_wait3A_154, %dma_wait3A_155, %dma_wait3A_156] : memref<4x200x128xf32, #tpu.memory_space<vmem>> -> memref<1x200x128xf32, #tpu.memory_space<vmem>>
    %dma_wait3A_158 = tpu.memref_squeeze %dma_wait3A_157 : memref<1x200x128xf32, #tpu.memory_space<vmem>> -> memref<200x128xf32, #tpu.memory_space<vmem>>
    %dma_wait3A_159 = arith.constant 0 : i32
    %dma_wait3A_160 = arith.constant 0 : i32
    %dma_wait3A_161 = tpu.memref_slice %dma_wait3A_158[%dma_wait3A_159, %dma_wait3A_160] : memref<200x128xf32, #tpu.memory_space<vmem>> -> memref<200x128xf32, #tpu.memory_space<vmem>>
    %dma_wait3A_162 = arith.constant 5800 : i32
    %dma_wait3A_163 = tpu.memref_slice %arg6[%dma_wait3A_162] : memref<6400xi32, #tpu.memory_space<vmem>> -> memref<200xi32, #tpu.memory_space<vmem>>
    %dma_wait3A_164 = arith.constant 0 : i32
    %dma_wait3A_165 = arith.constant 0 : i32
    %dma_wait3A_166 = tpu.memref_slice %arg3[%dma_wait3A_164, %dma_wait3A_165] : memref<100000x128xf32, #tpu.memory_space<hbm>> -> memref<100000x128xf32, #tpu.memory_space<hbm>>
    tpu.wait_indirect_dma semaphore(%arg10 : memref<!tpu.dma_semaphore, #tpu.memory_space<semaphore_mem>>) src(%dma_wait3A_166 : memref<100000x128xf32, #tpu.memory_space<hbm>>) dst(%dma_wait3A_161 : memref<200x128xf32, #tpu.memory_space<vmem>>)
    %add3A_167 = arith.constant 5800 : i32
    %add3A_168 = arith.addi %mul3A_2, %add3A_167 : i32
    %dma_start3A_169 = arith.constant 1 : i32
    %dma_start3A_170 = arith.constant 0 : i32
    %dma_start3A_171 = arith.constant 0 : i32
    %dma_start3A_172 = tpu.memref_slice %arg8[%dma_start3A_169, %dma_start3A_170, %dma_start3A_171] : memref<4x200x128xf32, #tpu.memory_space<vmem>> -> memref<1x200x128xf32, #tpu.memory_space<vmem>>
    %dma_start3A_173 = tpu.memref_squeeze %dma_start3A_172 : memref<1x200x128xf32, #tpu.memory_space<vmem>> -> memref<200x128xf32, #tpu.memory_space<vmem>>
    %dma_start3A_174 = arith.constant 0 : i32
    %dma_start3A_175 = tpu.memref_slice %arg5[%add3A_168, %dma_start3A_174] : memref<204800x128xf32, #tpu.memory_space<hbm>> -> memref<200x128xf32, #tpu.memory_space<hbm>>
    %dma_start3A_176 = arith.constant 0 : i32
    %dma_start3A_177 = tpu.memref_slice %arg5[%add3A_168, %dma_start3A_176] : memref<204800x128xf32, #tpu.memory_space<hbm>> -> memref<200x128xf32, #tpu.memory_space<hbm>>
    %dma_start3A_178 = arith.constant 0 : i32
    %dma_start3A_179 = arith.constant 0 : i32
    %dma_start3A_180 = tpu.memref_slice %arg8[%dma_start3A_169, %dma_start3A_178, %dma_start3A_179] : memref<4x200x128xf32, #tpu.memory_space<vmem>> -> memref<1x200x128xf32, #tpu.memory_space<vmem>>
    %dma_start3A_181 = tpu.memref_squeeze %dma_start3A_180 : memref<1x200x128xf32, #tpu.memory_space<vmem>> -> memref<200x128xf32, #tpu.memory_space<vmem>>
    tpu.enqueue_dma source(%dma_start3A_181 : memref<200x128xf32, #tpu.memory_space<vmem>>) target(%dma_start3A_177 : memref<200x128xf32, #tpu.memory_space<hbm>>) target_semaphore(%arg14 : memref<!tpu.dma_semaphore, #tpu.memory_space<semaphore_mem>>)
    %dma_wait3A_182 = arith.constant 3 : i32
    %dma_wait3A_183 = arith.constant 0 : i32
    %dma_wait3A_184 = arith.constant 0 : i32
    %dma_wait3A_185 = tpu.memref_slice %arg8[%dma_wait3A_182, %dma_wait3A_183, %dma_wait3A_184] : memref<4x200x128xf32, #tpu.memory_space<vmem>> -> memref<1x200x128xf32, #tpu.memory_space<vmem>>
    %dma_wait3A_186 = tpu.memref_squeeze %dma_wait3A_185 : memref<1x200x128xf32, #tpu.memory_space<vmem>> -> memref<200x128xf32, #tpu.memory_space<vmem>>
    %dma_wait3A_187 = arith.constant 0 : i32
    %dma_wait3A_188 = arith.constant 0 : i32
    %dma_wait3A_189 = tpu.memref_slice %arg8[%dma_wait3A_182, %dma_wait3A_187, %dma_wait3A_188] : memref<4x200x128xf32, #tpu.memory_space<vmem>> -> memref<1x200x128xf32, #tpu.memory_space<vmem>>
    %dma_wait3A_190 = tpu.memref_squeeze %dma_wait3A_189 : memref<1x200x128xf32, #tpu.memory_space<vmem>> -> memref<200x128xf32, #tpu.memory_space<vmem>>
    tpu.wait_dma2 semaphore(%arg17 : memref<!tpu.dma_semaphore, #tpu.memory_space<semaphore_mem>>) src(%arg7 : memref<200x128xf32, #tpu.memory_space<vmem_shared>>) dst(%dma_wait3A_190 : memref<200x128xf32, #tpu.memory_space<vmem>>)
    %dma_start3A_191 = arith.constant 3 : i32
    %dma_start3A_192 = arith.constant 0 : i32
    %dma_start3A_193 = arith.constant 0 : i32
    %dma_start3A_194 = tpu.memref_slice %arg8[%dma_start3A_191, %dma_start3A_192, %dma_start3A_193] : memref<4x200x128xf32, #tpu.memory_space<vmem>> -> memref<1x200x128xf32, #tpu.memory_space<vmem>>
    %dma_start3A_195 = tpu.memref_squeeze %dma_start3A_194 : memref<1x200x128xf32, #tpu.memory_space<vmem>> -> memref<200x128xf32, #tpu.memory_space<vmem>>
    %dma_start3A_196 = arith.constant 0 : i32
    %dma_start3A_197 = arith.constant 0 : i32
    %dma_start3A_198 = tpu.memref_slice %dma_start3A_195[%dma_start3A_196, %dma_start3A_197] : memref<200x128xf32, #tpu.memory_space<vmem>> -> memref<200x128xf32, #tpu.memory_space<vmem>>
    %dma_start3A_199 = arith.constant 6200 : i32
    %dma_start3A_200 = tpu.memref_slice %arg6[%dma_start3A_199] : memref<6400xi32, #tpu.memory_space<vmem>> -> memref<200xi32, #tpu.memory_space<vmem>>
    %dma_start3A_201 = arith.constant 0 : i32
    %dma_start3A_202 = arith.constant 0 : i32
    %dma_start3A_203 = tpu.memref_slice %arg3[%dma_start3A_201, %dma_start3A_202] : memref<100000x128xf32, #tpu.memory_space<hbm>> -> memref<100000x128xf32, #tpu.memory_space<hbm>>
    tpu.enqueue_indirect_dma source(%dma_start3A_203 : memref<100000x128xf32, #tpu.memory_space<hbm>>) target(%dma_start3A_198 : memref<200x128xf32, #tpu.memory_space<vmem>>) offsets(%dma_start3A_200 : memref<200xi32, #tpu.memory_space<vmem>>) semaphore(%arg12 : memref<!tpu.dma_semaphore, #tpu.memory_space<semaphore_mem>>) {add = true}
    %dma_wait3A_204 = arith.constant 2 : i32
    %dma_wait3A_205 = arith.constant 0 : i32
    %dma_wait3A_206 = arith.constant 0 : i32
    %dma_wait3A_207 = tpu.memref_slice %arg8[%dma_wait3A_204, %dma_wait3A_205, %dma_wait3A_206] : memref<4x200x128xf32, #tpu.memory_space<vmem>> -> memref<1x200x128xf32, #tpu.memory_space<vmem>>
    %dma_wait3A_208 = tpu.memref_squeeze %dma_wait3A_207 : memref<1x200x128xf32, #tpu.memory_space<vmem>> -> memref<200x128xf32, #tpu.memory_space<vmem>>
    %dma_wait3A_209 = arith.constant 0 : i32
    %dma_wait3A_210 = arith.constant 0 : i32
    %dma_wait3A_211 = tpu.memref_slice %dma_wait3A_208[%dma_wait3A_209, %dma_wait3A_210] : memref<200x128xf32, #tpu.memory_space<vmem>> -> memref<200x128xf32, #tpu.memory_space<vmem>>
    %dma_wait3A_212 = arith.constant 6000 : i32
    %dma_wait3A_213 = tpu.memref_slice %arg6[%dma_wait3A_212] : memref<6400xi32, #tpu.memory_space<vmem>> -> memref<200xi32, #tpu.memory_space<vmem>>
    %dma_wait3A_214 = arith.constant 0 : i32
    %dma_wait3A_215 = arith.constant 0 : i32
    %dma_wait3A_216 = tpu.memref_slice %arg3[%dma_wait3A_214, %dma_wait3A_215] : memref<100000x128xf32, #tpu.memory_space<hbm>> -> memref<100000x128xf32, #tpu.memory_space<hbm>>
    tpu.wait_indirect_dma semaphore(%arg11 : memref<!tpu.dma_semaphore, #tpu.memory_space<semaphore_mem>>) src(%dma_wait3A_216 : memref<100000x128xf32, #tpu.memory_space<hbm>>) dst(%dma_wait3A_211 : memref<200x128xf32, #tpu.memory_space<vmem>>)
    %add3A_217 = arith.constant 6000 : i32
    %add3A_218 = arith.addi %mul3A_2, %add3A_217 : i32
    %dma_start3A_219 = arith.constant 2 : i32
    %dma_start3A_220 = arith.constant 0 : i32
    %dma_start3A_221 = arith.constant 0 : i32
    %dma_start3A_222 = tpu.memref_slice %arg8[%dma_start3A_219, %dma_start3A_220, %dma_start3A_221] : memref<4x200x128xf32, #tpu.memory_space<vmem>> -> memref<1x200x128xf32, #tpu.memory_space<vmem>>
    %dma_start3A_223 = tpu.memref_squeeze %dma_start3A_222 : memref<1x200x128xf32, #tpu.memory_space<vmem>> -> memref<200x128xf32, #tpu.memory_space<vmem>>
    %dma_start3A_224 = arith.constant 0 : i32
    %dma_start3A_225 = tpu.memref_slice %arg5[%add3A_218, %dma_start3A_224] : memref<204800x128xf32, #tpu.memory_space<hbm>> -> memref<200x128xf32, #tpu.memory_space<hbm>>
    %dma_start3A_226 = arith.constant 0 : i32
    %dma_start3A_227 = tpu.memref_slice %arg5[%add3A_218, %dma_start3A_226] : memref<204800x128xf32, #tpu.memory_space<hbm>> -> memref<200x128xf32, #tpu.memory_space<hbm>>
    %dma_start3A_228 = arith.constant 0 : i32
    %dma_start3A_229 = arith.constant 0 : i32
    %dma_start3A_230 = tpu.memref_slice %arg8[%dma_start3A_219, %dma_start3A_228, %dma_start3A_229] : memref<4x200x128xf32, #tpu.memory_space<vmem>> -> memref<1x200x128xf32, #tpu.memory_space<vmem>>
    %dma_start3A_231 = tpu.memref_squeeze %dma_start3A_230 : memref<1x200x128xf32, #tpu.memory_space<vmem>> -> memref<200x128xf32, #tpu.memory_space<vmem>>
    tpu.enqueue_dma source(%dma_start3A_231 : memref<200x128xf32, #tpu.memory_space<vmem>>) target(%dma_start3A_227 : memref<200x128xf32, #tpu.memory_space<hbm>>) target_semaphore(%arg15 : memref<!tpu.dma_semaphore, #tpu.memory_space<semaphore_mem>>)
    %dma_wait3A_232 = arith.constant 3 : i32
    %dma_wait3A_233 = arith.constant 0 : i32
    %dma_wait3A_234 = arith.constant 0 : i32
    %dma_wait3A_235 = tpu.memref_slice %arg8[%dma_wait3A_232, %dma_wait3A_233, %dma_wait3A_234] : memref<4x200x128xf32, #tpu.memory_space<vmem>> -> memref<1x200x128xf32, #tpu.memory_space<vmem>>
    %dma_wait3A_236 = tpu.memref_squeeze %dma_wait3A_235 : memref<1x200x128xf32, #tpu.memory_space<vmem>> -> memref<200x128xf32, #tpu.memory_space<vmem>>
    %dma_wait3A_237 = arith.constant 0 : i32
    %dma_wait3A_238 = arith.constant 0 : i32
    %dma_wait3A_239 = tpu.memref_slice %dma_wait3A_236[%dma_wait3A_237, %dma_wait3A_238] : memref<200x128xf32, #tpu.memory_space<vmem>> -> memref<200x128xf32, #tpu.memory_space<vmem>>
    %dma_wait3A_240 = arith.constant 6200 : i32
    %dma_wait3A_241 = tpu.memref_slice %arg6[%dma_wait3A_240] : memref<6400xi32, #tpu.memory_space<vmem>> -> memref<200xi32, #tpu.memory_space<vmem>>
    %dma_wait3A_242 = arith.constant 0 : i32
    %dma_wait3A_243 = arith.constant 0 : i32
    %dma_wait3A_244 = tpu.memref_slice %arg3[%dma_wait3A_242, %dma_wait3A_243] : memref<100000x128xf32, #tpu.memory_space<hbm>> -> memref<100000x128xf32, #tpu.memory_space<hbm>>
    tpu.wait_indirect_dma semaphore(%arg12 : memref<!tpu.dma_semaphore, #tpu.memory_space<semaphore_mem>>) src(%dma_wait3A_244 : memref<100000x128xf32, #tpu.memory_space<hbm>>) dst(%dma_wait3A_239 : memref<200x128xf32, #tpu.memory_space<vmem>>)
    %add3A_245 = arith.constant 6200 : i32
    %add3A_246 = arith.addi %mul3A_2, %add3A_245 : i32
    %dma_start3A_247 = arith.constant 3 : i32
    %dma_start3A_248 = arith.constant 0 : i32
    %dma_start3A_249 = arith.constant 0 : i32
    %dma_start3A_250 = tpu.memref_slice %arg8[%dma_start3A_247, %dma_start3A_248, %dma_start3A_249] : memref<4x200x128xf32, #tpu.memory_space<vmem>> -> memref<1x200x128xf32, #tpu.memory_space<vmem>>
    %dma_start3A_251 = tpu.memref_squeeze %dma_start3A_250 : memref<1x200x128xf32, #tpu.memory_space<vmem>> -> memref<200x128xf32, #tpu.memory_space<vmem>>
    %dma_start3A_252 = arith.constant 0 : i32
    %dma_start3A_253 = tpu.memref_slice %arg5[%add3A_246, %dma_start3A_252] : memref<204800x128xf32, #tpu.memory_space<hbm>> -> memref<200x128xf32, #tpu.memory_space<hbm>>
    %dma_start3A_254 = arith.constant 0 : i32
    %dma_start3A_255 = tpu.memref_slice %arg5[%add3A_246, %dma_start3A_254] : memref<204800x128xf32, #tpu.memory_space<hbm>> -> memref<200x128xf32, #tpu.memory_space<hbm>>
    %dma_start3A_256 = arith.constant 0 : i32
    %dma_start3A_257 = arith.constant 0 : i32
    %dma_start3A_258 = tpu.memref_slice %arg8[%dma_start3A_247, %dma_start3A_256, %dma_start3A_257] : memref<4x200x128xf32, #tpu.memory_space<vmem>> -> memref<1x200x128xf32, #tpu.memory_space<vmem>>
    %dma_start3A_259 = tpu.memref_squeeze %dma_start3A_258 : memref<1x200x128xf32, #tpu.memory_space<vmem>> -> memref<200x128xf32, #tpu.memory_space<vmem>>
    tpu.enqueue_dma source(%dma_start3A_259 : memref<200x128xf32, #tpu.memory_space<vmem>>) target(%dma_start3A_255 : memref<200x128xf32, #tpu.memory_space<hbm>>) target_semaphore(%arg16 : memref<!tpu.dma_semaphore, #tpu.memory_space<semaphore_mem>>)
    %add3A_260 = arith.constant 5600 : i32
    %add3A_261 = arith.addi %mul3A_2, %add3A_260 : i32
    %dma_wait3A_262 = arith.constant 0 : i32
    %dma_wait3A_263 = arith.constant 0 : i32
    %dma_wait3A_264 = arith.constant 0 : i32
    %dma_wait3A_265 = tpu.memref_slice %arg8[%dma_wait3A_262, %dma_wait3A_263, %dma_wait3A_264] : memref<4x200x128xf32, #tpu.memory_space<vmem>> -> memref<1x200x128xf32, #tpu.memory_space<vmem>>
    %dma_wait3A_266 = tpu.memref_squeeze %dma_wait3A_265 : memref<1x200x128xf32, #tpu.memory_space<vmem>> -> memref<200x128xf32, #tpu.memory_space<vmem>>
    %dma_wait3A_267 = arith.constant 0 : i32
    %dma_wait3A_268 = tpu.memref_slice %arg5[%add3A_261, %dma_wait3A_267] : memref<204800x128xf32, #tpu.memory_space<hbm>> -> memref<200x128xf32, #tpu.memory_space<hbm>>
    %dma_wait3A_269 = arith.constant 0 : i32
    %dma_wait3A_270 = tpu.memref_slice %arg5[%add3A_261, %dma_wait3A_269] : memref<204800x128xf32, #tpu.memory_space<hbm>> -> memref<200x128xf32, #tpu.memory_space<hbm>>
    %dma_wait3A_271 = arith.constant 0 : i32
    %dma_wait3A_272 = arith.constant 0 : i32
    %dma_wait3A_273 = tpu.memref_slice %arg8[%dma_wait3A_262, %dma_wait3A_271, %dma_wait3A_272] : memref<4x200x128xf32, #tpu.memory_space<vmem>> -> memref<1x200x128xf32, #tpu.memory_space<vmem>>
    %dma_wait3A_274 = tpu.memref_squeeze %dma_wait3A_273 : memref<1x200x128xf32, #tpu.memory_space<vmem>> -> memref<200x128xf32, #tpu.memory_space<vmem>>
    tpu.wait_dma2 semaphore(%arg13 : memref<!tpu.dma_semaphore, #tpu.memory_space<semaphore_mem>>) src(%dma_wait3A_274 : memref<200x128xf32, #tpu.memory_space<vmem>>) dst(%dma_wait3A_270 : memref<200x128xf32, #tpu.memory_space<hbm>>)
    %add3A_275 = arith.constant 5800 : i32
    %add3A_276 = arith.addi %mul3A_2, %add3A_275 : i32
    %dma_wait3A_277 = arith.constant 1 : i32
    %dma_wait3A_278 = arith.constant 0 : i32
    %dma_wait3A_279 = arith.constant 0 : i32
    %dma_wait3A_280 = tpu.memref_slice %arg8[%dma_wait3A_277, %dma_wait3A_278, %dma_wait3A_279] : memref<4x200x128xf32, #tpu.memory_space<vmem>> -> memref<1x200x128xf32, #tpu.memory_space<vmem>>
    %dma_wait3A_281 = tpu.memref_squeeze %dma_wait3A_280 : memref<1x200x128xf32, #tpu.memory_space<vmem>> -> memref<200x128xf32, #tpu.memory_space<vmem>>
    %dma_wait3A_282 = arith.constant 0 : i32
    %dma_wait3A_283 = tpu.memref_slice %arg5[%add3A_276, %dma_wait3A_282] : memref<204800x128xf32, #tpu.memory_space<hbm>> -> memref<200x128xf32, #tpu.memory_space<hbm>>
    %dma_wait3A_284 = arith.constant 0 : i32
    %dma_wait3A_285 = tpu.memref_slice %arg5[%add3A_276, %dma_wait3A_284] : memref<204800x128xf32, #tpu.memory_space<hbm>> -> memref<200x128xf32, #tpu.memory_space<hbm>>
    %dma_wait3A_286 = arith.constant 0 : i32
    %dma_wait3A_287 = arith.constant 0 : i32
    %dma_wait3A_288 = tpu.memref_slice %arg8[%dma_wait3A_277, %dma_wait3A_286, %dma_wait3A_287] : memref<4x200x128xf32, #tpu.memory_space<vmem>> -> memref<1x200x128xf32, #tpu.memory_space<vmem>>
    %dma_wait3A_289 = tpu.memref_squeeze %dma_wait3A_288 : memref<1x200x128xf32, #tpu.memory_space<vmem>> -> memref<200x128xf32, #tpu.memory_space<vmem>>
    tpu.wait_dma2 semaphore(%arg14 : memref<!tpu.dma_semaphore, #tpu.memory_space<semaphore_mem>>) src(%dma_wait3A_289 : memref<200x128xf32, #tpu.memory_space<vmem>>) dst(%dma_wait3A_285 : memref<200x128xf32, #tpu.memory_space<hbm>>)
    %add3A_290 = arith.constant 6000 : i32
    %add3A_291 = arith.addi %mul3A_2, %add3A_290 : i32
    %dma_wait3A_292 = arith.constant 2 : i32
    %dma_wait3A_293 = arith.constant 0 : i32
    %dma_wait3A_294 = arith.constant 0 : i32
    %dma_wait3A_295 = tpu.memref_slice %arg8[%dma_wait3A_292, %dma_wait3A_293, %dma_wait3A_294] : memref<4x200x128xf32, #tpu.memory_space<vmem>> -> memref<1x200x128xf32, #tpu.memory_space<vmem>>
    %dma_wait3A_296 = tpu.memref_squeeze %dma_wait3A_295 : memref<1x200x128xf32, #tpu.memory_space<vmem>> -> memref<200x128xf32, #tpu.memory_space<vmem>>
    %dma_wait3A_297 = arith.constant 0 : i32
    %dma_wait3A_298 = tpu.memref_slice %arg5[%add3A_291, %dma_wait3A_297] : memref<204800x128xf32, #tpu.memory_space<hbm>> -> memref<200x128xf32, #tpu.memory_space<hbm>>
    %dma_wait3A_299 = arith.constant 0 : i32
    %dma_wait3A_300 = tpu.memref_slice %arg5[%add3A_291, %dma_wait3A_299] : memref<204800x128xf32, #tpu.memory_space<hbm>> -> memref<200x128xf32, #tpu.memory_space<hbm>>
    %dma_wait3A_301 = arith.constant 0 : i32
    %dma_wait3A_302 = arith.constant 0 : i32
    %dma_wait3A_303 = tpu.memref_slice %arg8[%dma_wait3A_292, %dma_wait3A_301, %dma_wait3A_302] : memref<4x200x128xf32, #tpu.memory_space<vmem>> -> memref<1x200x128xf32, #tpu.memory_space<vmem>>
    %dma_wait3A_304 = tpu.memref_squeeze %dma_wait3A_303 : memref<1x200x128xf32, #tpu.memory_space<vmem>> -> memref<200x128xf32, #tpu.memory_space<vmem>>
    tpu.wait_dma2 semaphore(%arg15 : memref<!tpu.dma_semaphore, #tpu.memory_space<semaphore_mem>>) src(%dma_wait3A_304 : memref<200x128xf32, #tpu.memory_space<vmem>>) dst(%dma_wait3A_300 : memref<200x128xf32, #tpu.memory_space<hbm>>)
    %add3A_305 = arith.constant 6200 : i32
    %add3A_306 = arith.addi %mul3A_2, %add3A_305 : i32
    %dma_wait3A_307 = arith.constant 3 : i32
    %dma_wait3A_308 = arith.constant 0 : i32
    %dma_wait3A_309 = arith.constant 0 : i32
    %dma_wait3A_310 = tpu.memref_slice %arg8[%dma_wait3A_307, %dma_wait3A_308, %dma_wait3A_309] : memref<4x200x128xf32, #tpu.memory_space<vmem>> -> memref<1x200x128xf32, #tpu.memory_space<vmem>>
    %dma_wait3A_311 = tpu.memref_squeeze %dma_wait3A_310 : memref<1x200x128xf32, #tpu.memory_space<vmem>> -> memref<200x128xf32, #tpu.memory_space<vmem>>
    %dma_wait3A_312 = arith.constant 0 : i32
    %dma_wait3A_313 = tpu.memref_slice %arg5[%add3A_306, %dma_wait3A_312] : memref<204800x128xf32, #tpu.memory_space<hbm>> -> memref<200x128xf32, #tpu.memory_space<hbm>>
    %dma_wait3A_314 = arith.constant 0 : i32
    %dma_wait3A_315 = tpu.memref_slice %arg5[%add3A_306, %dma_wait3A_314] : memref<204800x128xf32, #tpu.memory_space<hbm>> -> memref<200x128xf32, #tpu.memory_space<hbm>>
    %dma_wait3A_316 = arith.constant 0 : i32
    %dma_wait3A_317 = arith.constant 0 : i32
    %dma_wait3A_318 = tpu.memref_slice %arg8[%dma_wait3A_307, %dma_wait3A_316, %dma_wait3A_317] : memref<4x200x128xf32, #tpu.memory_space<vmem>> -> memref<1x200x128xf32, #tpu.memory_space<vmem>>
    %dma_wait3A_319 = tpu.memref_squeeze %dma_wait3A_318 : memref<1x200x128xf32, #tpu.memory_space<vmem>> -> memref<200x128xf32, #tpu.memory_space<vmem>>
    tpu.wait_dma2 semaphore(%arg16 : memref<!tpu.dma_semaphore, #tpu.memory_space<semaphore_mem>>) src(%dma_wait3A_319 : memref<200x128xf32, #tpu.memory_space<vmem>>) dst(%dma_wait3A_315 : memref<200x128xf32, #tpu.memory_space<hbm>>)
    return
  }
}

</mosaic_0001>

<sc_bundles>
// kernel: kernel.3.cloned.1.call-start
scs
__scs_entry_jumppad:
0x0: {  	(pc) =	sbr.rel $0x88, $3  }
0x1: {  	(tag) =	ssettag $0x0;
	lr =	simm.s32 $0x1  }
0x2: {  	[smem:$0x3F9F] =	sst lr;
	_ =	strace $0xD0000000  }
0x3: {  	_ = 	snop  }
0x4: {  	_ = 	snop  }
0x5: {  	_ = 	snop  }
0x6: {  	_ = 	snop  }
0x7: {  	_ = 	snop  }
__scs_overlays_trampoline_lowered:
0x8: {  	[smem:$0x3FAE] =	sst s0  }
0x9: {  	[smem:$0x3FAF] =	sst s1  }
0xa: {  	[smem:$0x3FB0] =	sst s2  }
0xb: {  	[smem:$0x3FB1] =	sst s3  }
0xc: {  	[smem:$0x3FB2] =	sst s4  }
0xd: {  	[smem:$0x3FB3] =	sst s5  }
0xe: {  	[smem:$0x3FB4] =	sst s6  }
0xf: {  	[smem:$0x3FB5] =	sst s7  }
0x10: {  	[smem:$0x3FB6] =	sst s8  }
0x11: {  	[smem:$0x3FB7] =	sst s9;
	s0 =	simm.s32 @!p0 $0x0  }
0x12: {  	s1 =	sld [smem:$0x3F9D];
	s0 =	simm.s32 @p0 $0x1  }
0x13: {  	[smem:$0x3FB8] =	sst s0;
	s0 =	simm.s32 @!p1 $0x0  }
0x14: {  	s2 =	sld [smem:$0x3F9C];
	s0 =	simm.s32 @p1 $0x1  }
0x15: {  	[smem:$0x3FB9] =	sst s0;
	s0 =	simm.s32 @!p2 $0x0  }
0x16: {  	s3 =	sld [smem:$0x3FDB];
	s0 =	simm.s32 @p2 $0x1  }
0x17: {  	s4 =	simm.s32 $0x1BF5;
	[smem:$0x3FBB] =	sst s0  }
0x18: {  	s0 =	sld [smem:$0x3F9E];
	_ =	swait.ge [sflag:s4], $0x0  }
0x19: {  	s7 =	sld [smem:$0x3F9F]  }
0x1a: {  	s8 =	sadd.s32 $0xFFFFE003, lr  }
0x1b: {  	s9 =	sadd.s32 $0xFFFFFEF7, lr;
	s5 =	simm.s32 $0xFFFFFFFF;
	p2 =	slt.u32 s8, $0xFFFFF086  }
0x1c: {  	p1 =	slt.u32 s9, $0xF7A;
	s5 =	simm.s32 @!p2 $0x0  }
0x1d: {  	s5 =	simm.s32 @p1 $0x1;
	p0 =	seq.s32 s7, s2  }
0x1e: {  	s7 =	smul.u32 @!p0 $0xF7A, s2;
	p2 =	seq.s32 @!p0 s5, $0x0  }
0x1f: {  	s9 =	smul.u32 $0xF7A, s1;
	s8 =	simm.s32 @!p0 $0x1BF5;
	p2 =	por !p2, p0  }
0x20: {  	[sflag:s8] =	ssyncset.s32 @!p0 $0xFFFFF086;
	s6 =	sadd.s32 @!p0 s3, s7;
	s7 =	simm.s32 @!p0 $0x108  }
0x21: {  	s3 =	sadd.s32 s3, s9;
	s6 =	sadd.s32 @!p0 $0x88, s6;
	s7 =	simm.s32 @p2 $0x1082  }
0x22: {  	[simem:s7], [sflag:s8] =	dma.local @!p0 [hbm:s6], $0xF7A  }
0x23: {  	s9 =	sor.u32 $0xD0000000, s2;
	s6 =	simm.s32 $0x108;
	_ =	swait.ge @!p0 [sflag:s8], $0x0  }
0x24: {  	s3 =	sadd.s32 $0x88, s3;
	s6 =	simm.s32 @!p1 $0x1082;
	[sflag:s4] =	ssyncset.s32 $0xFFFFF086  }
0x25: {  	[simem:s6], [sflag:s4] =	dma.local [hbm:s3], $0xF7A  }
0x26: {  	[smem:$0x3F9F] =	sst s1;
	(tag) =	ssettag s2;
	_ =	strace s9  }
0x27: {  	s1 =	sld [smem:$0x3FAF]  }
0x28: {  	s2 =	sld [smem:$0x3FB0]  }
0x29: {  	s4 =	sld [smem:$0x3FB2]  }
0x2a: {  	p0 =	seq.s32 s5, $0x0;
	s5 =	sld [smem:$0x3FB3]  }
0x2b: {  	s6 =	sld [smem:$0x3FB4]  }
0x2c: {  	s7 =	sld [smem:$0x3FB5]  }
0x2d: {  	s3 =	simm.s32 $0x108;
	s8 =	sld [smem:$0x3FB6]  }
0x2e: {  	s3 =	simm.s32 @!p0 $0x1082;
	s9 =	sld [smem:$0x3FB7]  }
0x2f: {  	lr =	sadd.s32 s0, s3;
	s0 =	sld [smem:$0x3FAE]  }
0x30: {  	s3 =	sld [smem:$0x3FB1]  }
0x31: {  	[smem:$0x3FBA] =	sst s10  }
0x32: {  	s10 =	sld [smem:$0x3FB8];
	_ =	sdelay $0x3  }
0x33: {  	p0 =	seq.s32 s10, $0x1;
	s10 =	sld [smem:$0x3FBA];
	_ =	sdelay $0x3  }
0x34: {  	[smem:$0x3FBA] =	sst s10  }
0x35: {  	s10 =	sld [smem:$0x3FB9];
	_ =	sdelay $0x3  }
0x36: {  	p1 =	seq.s32 s10, $0x1;
	s10 =	sld [smem:$0x3FBA];
	_ =	sdelay $0x3  }
0x37: {  	[smem:$0x3FBA] =	sst s10  }
0x38: {  	s10 =	sld [smem:$0x3FBB]  }
0x39: {  	_ = 	snop;
	(pc) =	sbr.ind lr, $3  }
0x3a: {  	_ = 	snop  }
0x3b: {  	_ = 	snop  }
0x3c: {  	p2 =	seq.s32 s10, $0x1;
	s10 =	sld [smem:$0x3FBA]  }
0x3d: {  	_ =	shalt  }
0x3e: {  	_ =	shalt  }
0x3f: {  	_ =	shalt  }
0x40: {  	_ =	shalt  }
0x41: {  	_ =	shalt  }
0x42: {  	_ =	shalt  }
0x43: {  	_ =	shalt  }
0x44: {  	_ =	shalt  }
0x45: {  	_ =	shalt  }
0x46: {  	_ =	shalt  }
0x47: {  	_ =	shalt  }
0x48: {  	_ =	shalt  }
0x49: {  	_ =	shalt  }
0x4a: {  	_ =	shalt  }
0x4b: {  	_ =	shalt  }
0x4c: {  	_ =	shalt  }
0x4d: {  	_ =	shalt  }
0x4e: {  	_ =	shalt  }
0x4f: {  	_ =	shalt  }
0x50: {  	_ =	shalt  }
0x51: {  	_ =	shalt  }
0x52: {  	_ =	shalt  }
0x53: {  	_ =	shalt  }
0x54: {  	_ =	shalt  }
0x55: {  	_ =	shalt  }
0x56: {  	_ =	shalt  }
0x57: {  	_ =	shalt  }
0x58: {  	_ =	shalt  }
0x59: {  	_ =	shalt  }
0x5a: {  	_ =	shalt  }
0x5b: {  	_ =	shalt  }
0x5c: {  	_ =	shalt  }
0x5d: {  	_ =	shalt  }
0x5e: {  	_ =	shalt  }
0x5f: {  	_ =	shalt  }
0x60: {  	_ =	shalt  }
0x61: {  	_ =	shalt  }
0x62: {  	_ =	shalt  }
0x63: {  	_ =	shalt  }
0x64: {  	_ =	shalt  }
0x65: {  	_ =	shalt  }
0x66: {  	_ =	shalt  }
0x67: {  	_ =	shalt  }
0x68: {  	_ =	shalt  }
0x69: {  	_ =	shalt  }
0x6a: {  	_ =	shalt  }
0x6b: {  	_ =	shalt  }
0x6c: {  	_ =	shalt  }
0x6d: {  	_ =	shalt  }
0x6e: {  	_ =	shalt  }
0x6f: {  	_ =	shalt  }
0x70: {  	_ =	shalt  }
0x71: {  	_ =	shalt  }
0x72: {  	_ =	shalt  }
0x73: {  	_ =	shalt  }
0x74: {  	_ =	shalt  }
0x75: {  	_ =	shalt  }
0x76: {  	_ =	shalt  }
0x77: {  	_ =	shalt  }
0x78: {  	_ =	shalt  }
0x79: {  	_ =	shalt  }
0x7a: {  	_ =	shalt  }
0x7b: {  	_ =	shalt  }
0x7c: {  	_ =	shalt  }
0x7d: {  	_ =	shalt  }
0x7e: {  	_ =	shalt  }
0x7f: {  	_ =	shalt  }
0x80: {  	_ =	shalt  }
0x81: {  	_ =	shalt  }
0x82: {  	_ =	shalt  }
0x83: {  	_ =	shalt  }
0x84: {  	_ =	shalt  }
0x85: {  	_ =	shalt  }
0x86: {  	_ =	shalt  }
0x87: {  	_ =	shalt  }
.Lfunc_end0:
.L_simem_size_0:
called_computation_lowered:
.L_overlay_start_0:
0x88: {  	s2 =	sld [smem:$0x3FD9]  }
0x89: {  	s3 =	sld [smem:$0x3FFE];
	_ =	sdelay $0x1  }
0x8a: {  	s1 =	srdreg.scid  }
0x8b: {  	s0 =	sand.u32 $0x1, s1  }
0x8c: {  	s17 =	sshll.u32 s0, $0xA;
	s2 =	sadd.s32 s3, s2  }
0x8d: {  	s2 =	sadd.s32 s2, s17  }
0x8e: {  	[smem:$0x3FC6] =	sst s2  }
0x8f: {  	_ = 	snop  }
0x90: {  	s2 =	sld [smem:$0x3FC8]  }
0x91: {  	s18 =	sld [smem:$0x3FD0];
	(tm) =	ssettm $0x1  }
0x92: {  	s4 =	sld [smem:$0x3FFB];
	_ =	sdelay $0x3  }
0x93: {  	_ =	strace s4  }
0x94: {  	s4 =	sld [smem:$0x3FFC];
	_ =	sdelay $0x3  }
0x95: {  	_ =	strace s4  }
0x96: {  	s4 =	sld [smem:$0x3FFD];
	_ =	sdelay $0x3  }
0x97: {  	_ =	strace s4  }
0x98: {  	_ =	strace $0x8FFFFFFF  }
0x99: {  	s19 =	sld [smem:$0x3FDB];
	_ =	sdelay $0x1  }
0x9a: {  	s5 =	simm.s32 $_scs_section_size  }
0x9b: {  	s6 =	simm.s32 $_size__tile_overlayer_lowered;
	s7 =	simm.s32 $_tile_overlayer_lowered  }
0x9c: {  	s22 =	simm.s32 $0x1BFF;
	s21 =	sshll.u32 s7, $0x1;
	s4 =	sadd.s32 s5, s19  }
0x9d: {  	s8 =	simm.s32 $0x0;
	s20 =	sshll.u32 s6, $0x1;
	s6 =	sadd.s32 s21, s4  }
0x9e: {  	[timem:s8], [sflag:s22] =	dma.local [hbm:s6], s20  }
0x9f: {  	_ =	swait.ge [sflag:s22], s20  }
0xa0: {  	s5 =	ssub.s32 $0x0, s20;
	[sflag:s22] =	ssyncset.done $0x0  }
0xa1: {  	[sflag:s22] =	ssyncadd.s32 s5;
	_ =	sdelay $0x1  }
0xa2: {  	s23 =	simm.s32 $0x1B8B  }
0xa3: {  	_ =	swait.ge [sflag:s23], $0x1  }
0xa4: {  	[sflag:s23] =	ssyncset.done $0x0  }
0xa5: {  	s25 =	simm.s32 $0x1B8E;
	s24 =	sld [smem:$0x3FFE];
	[sflag:s23] =	ssyncadd.s32 $0xFFFFFFFF  }
0xa6: {  	s26 =	simm.s32 $execute0_lowered;
	[smem:$0x3FD2] =	sst s25  }
0xa7: {  	s6 =	sshll.u32 s26, $0x1;
	_ =	strace $0x80000046;
	[dreg:$0x1] =	wrdreg $0xFFFFFFFF  }
0xa8: {  	s28 =	simm.s32 $_size_execute0_lowered;
	s4 =	sadd.s32 s4, s6;
	[dreg:$0x0] =	wrdreg $0x0  }
0xa9: {  	s6 =	sshll.u32 s28, $0x1;
	[dreg:$0x2] =	wrdreg s4  }
0xaa: {  	[dreg:$0x3] =	wrdreg s6  }
0xab: {  	[dreg:$0x4] =	wrdreg $0xC0  }
0xac: {  	_ =	task [dreg:s8], $0x5FFFF  }
0xad: {  	[dreg:$0x1] =	wrdreg $0xFFFFFFFF  }
0xae: {  	[dreg:$0x0] =	wrdreg $0x60  }
0xaf: {  	[dreg:$0x2] =	wrdreg s24  }
0xb0: {  	[dreg:$0x3] =	wrdreg s2  }
0xb1: {  	[dreg:$0x4] =	wrdreg s18  }
0xb2: {  	[dreg:$0x5] =	wrdreg $0x19000  }
0xb3: {  	[dreg:$0x6] =	wrdreg $0x9  }
0xb4: {  	_ =	task.clear_ibuf [dreg:s8], $0x7FFFF;
	_ =	strace $0x90000046  }
0xb5: {  	s29 =	simm.s32 $0x9;
	_ =	strace $0x80000048  }
0xb6: {  	_ =	swait.ge [sflag:s29], $0x1  }
0xb7: {  	[sflag:s29] =	ssyncadd.s32 $0xFFFFFFFF  }
0xb8: {  	_ =	strace $0x90000048  }
0xb9: {  	_ =	sfence  }
0xba: {  	s30 =	sld [smem:$0x0];
	_ =	sdelay $0x2  }
0xbb: {  	s31 =	sshll.u32 s1, $0xD;
	s1 =	sshrl.u32 s1, $0x2  }
0xbc: {  	s3 =	sand.u32 $0x4000, s31;
	s1 =	sadd.s32 s1, s30  }
0xbd: {  	s0 =	sor.u32 s3, s0;
	s1 =	sshll.u32 s1, $0x11  }
0xbe: {  	s0 =	sor.u32 s1, s0  }
0xbf: {  	s0 =	sadd.s32 $0x8F2B, s0  }
0xc0: {  	[sflag:s0] =	ssyncadd.remote.s32 $0x1  }
0xc1: {  	_ =	sfence.sel $0xFFFF  }
0xc2: {  	[dreg:$0x0] =	wrdreg $0xFFFFFFFF;
	(pc) =	sbr.abs _section_cstart, $3  }
0xc3: {  	[dreg:$0x1] =	wrdreg $0xFFFFFFFF  }
0xc4: {  	_ =	task.clear_ibuf [dreg:s8], $0x2FFFF;
	_ =	strace $0x9FFFFFFF  }
0xc5: {  	(tm) =	ssettm $0x7FFFFFFF  }
tec
execute0_lowered:
.L_overlay_start_1:
0x0: {  	(tag) =	ssettag $0x1  }
0x1: {  	s8 =	rddreg [dreg:$0x0]  }
0x2: {  	s1 =	rddreg [dreg:$0x1];
	s0 =	srdreg.scid  }
0x3: {  	s2 =	stileid.u32;
	s11 =	rddreg [dreg:$0x2]  }
0x4: {  	s3 =	rddreg [dreg:$0x3];
	s13 =	simm.s32 $0x9;
	s14 =	simm.s32 $0x1F40  }
0x5: {  	s15 =	simm.s32 $0xA;
	s16 =	simm.s32 $0xC8;
	s17 =	simm.s32 $0x8340  }
0x6: {  	s18 =	simm.s32 $0xE740;
	s19 =	simm.s32 $0x1;
	s20 =	simm.s32 $0x14B40  }
0x7: {  	s21 =	simm.s32 $0x2;
	s22 =	simm.s32 $0x5;
	s23 =	simm.s32 $0x3  }
0x8: {  	s24 =	simm.s32 $0x6;
	s25 =	simm.s32 $0x4;
	s28 =	simm.s32 $0x7  }
0x9: {  	s30 =	simm.s32 $0x8;
	s0 =	sand.u32 $0x1, s0;
	s4 =	sshll.u32 s2, $0x1  }
0xa: {  	s12 =	smul.u32 $0x32000, s2;
	p0 =	sne.s32 s2, $0x0;
	s5 =	sor.u32 s0, s4  }
0xb: {  	s2 =	simm.s32 $0x0;
	s4 =	simm.s32 $0x0;
	s6 =	smul.u32 $0x1900, s5  }
0xc: {  	s7 =	ssub.s32 $0x2, s0;
	[smem:$0x7FF] =	sst s4;
	s5 =	smul.u32 $0xC8000, s5  }
0xd: {  	s0 =	smul.u32 $0x19000, s0;
	s29 =	sshrl.u32 s7, $0x1;
	_ =	strace $0x80000047  }
0xe: {  	s10 =	ssub.s32 s7, s29;
	s6 =	sshrl.u32 s6, $0x3;
	s9 =	sshrl.u32 s5, $0x3  }
0xf: {  	s10 =	smax.u32 s10, $0x1;
	s6 =	sadd.s32 s6, s8;
	s9 =	sadd.s32 s11, s9  }
0x10: {  	s11 =	sadd.s32 s12, s11;
	s12 =	sshrl.u32 @!p0 s3, $0x3;
	s31 =	sadd.s32 $0xE00, s6  }
0x11: {  	s6 =	sadd.s32 $0x15E00, s9;
	s7 =	sadd.s32 $0x16A80, s9;
	s8 =	sadd.s32 $0x17700, s9  }
0x12: {  	s9 =	sadd.s32 $0x18380, s9;
	s11 =	sadd.s32 s0, s11;
	[dreg:$0x5] =	wrdreg s31  }
.LBB2_1:
0x13: {  	s0 =	rddreg [dreg:$0x5]  }
0x14: {  	[tilespmem:s4], [sflag:$0x9] =	stream.linear.gather [hbm4b:s0+s4], $0x1900, $0x38;
	[tilespmem:$0x1AF40] =	vst v63  }
0x15: {  	s5 =	rddreg [dreg:$0x0];
	s0 =	simm.s32 @!p0 $0x1C0A  }
0x16: {  	[spmem:s12], [sflag:s0] =	dma.local @!p0 [hbm:s5], $0xC80  }
0x17: {  	s0 =	simm.s32 @!p0 $0xA  }
0x18: {  	_ =	swait.ge @!p0 [sflag:s0], $0xC80  }
0x19: {  	[sflag:s0] =	ssyncset.done @!p0 $0x0  }
0x1a: {  	[sflag:s0] =	ssyncadd.s32 @!p0 $0xFFFFF380  }
0x1b: {  	[bflag:$0x0] =	sbarrier.arrive $0xFFFF  }
0x1c: {  	_ =	swait.ge [sflag:s13], $0x1900  }
0x1d: {  	[sflag:s13] =	ssyncset.done $0x0  }
0x1e: {  	[sflag:s13] =	ssyncadd.s32 $0xFFFFE700  }
0x1f: {  	[tilespmem:s14], [sflag:$0xA] =	stream.linear.gather [spmem:s3], $0x6400, $0x38;
	[tilespmem:$0x1AF40] =	vst v63  }
0x20: {  	_ =	swait.ge [sflag:s15], $0x6400  }
0x21: {  	[sflag:s15] =	ssyncset.done $0x0  }
0x22: {  	[sflag:s15] =	ssyncadd.s32 $0xFFFF9C00  }
0x23: {  	[tilespmem:s14], [sflag:$0x1] =	stream.indirect.gather.add.f32 [hbm:s1], $0x80, s4, s16, $0xb8;
	[tilespmem:$0x1AF40] =	vst v63  }
0x24: {  	_ = 	snop  }
0x25: {  	[tilespmem:s17], [sflag:$0x9] =	stream.linear.gather [spmem:s3], $0x6400, $0x38;
	[tilespmem:$0x1AF40] =	vst v63  }
0x26: {  	_ =	swait.ge [sflag:s13], $0x6400  }
0x27: {  	p1 =	por $0x1, $0x1;
	[sflag:s13] =	ssyncset.done $0x0  }
0x28: {  	s26 =	simm.s32 @!p1 $0x7;
	s5 =	simm.s32 $0xC8;
	[sflag:s13] =	ssyncadd.s32 $0xFFFF9C00  }
0x29: {  	[tilespmem:s17], [sflag:$0x2] =	stream.indirect.gather.add.f32 [hbm:s1], $0x80, s5, s16, $0xb8;
	[tilespmem:$0x1AF40] =	vst v63  }
0x2a: {  	_ =	swait.ge @!p1 [sflag:s26], $0x6400  }
0x2b: {  	[sflag:s26] =	ssyncset.done @!p1 $0x0  }
0x2c: {  	[sflag:s26] =	ssyncadd.s32 @!p1 $0xFFFF9C00  }
0x2d: {  	[tilespmem:s18], [sflag:$0x9] =	stream.linear.gather [spmem:s3], $0x6400, $0x38;
	[tilespmem:$0x1AF40] =	vst v63  }
0x2e: {  	_ =	swait.ge [sflag:s19], $0x6400  }
0x2f: {  	[sflag:s19] =	ssyncset.done $0x0  }
0x30: {  	s29 =	sadd.s32 $0x0, s11;
	[sflag:s19] =	ssyncadd.s32 $0xFFFF9C00  }
0x31: {  	[hbm4b:s29+s4] =	stream.linear.scatter [tilespmem:s14], [sflag:$0x5], $0x6400, $0x38;
	[tilespmem:$0x1AF40] =	vst v63  }
0x32: {  	_ =	swait.ge [sflag:s13], $0x6400  }
0x33: {  	[sflag:s13] =	ssyncset.done $0x0  }
0x34: {  	s31 =	simm.s32 $0x190;
	s26 =	simm.s32 @!p1 $0x8;
	[sflag:s13] =	ssyncadd.s32 $0xFFFF9C00  }
0x35: {  	[tilespmem:s18], [sflag:$0x3] =	stream.indirect.gather.add.f32 [hbm:s1], $0x80, s31, s16, $0xb8;
	[tilespmem:$0x1AF40] =	vst v63  }
0x36: {  	_ =	swait.ge @!p1 [sflag:s26], $0x6400  }
0x37: {  	[sflag:s26] =	ssyncset.done @!p1 $0x0  }
0x38: {  	[sflag:s26] =	ssyncadd.s32 @!p1 $0xFFFF9C00  }
0x39: {  	[tilespmem:s20], [sflag:$0x9] =	stream.linear.gather [spmem:s3], $0x6400, $0x38;
	[tilespmem:$0x1AF40] =	vst v63  }
0x3a: {  	_ =	swait.ge [sflag:s21], $0x6400  }
0x3b: {  	[sflag:s21] =	ssyncset.done $0x0  }
0x3c: {  	s5 =	sadd.s32 $0xC80, s29;
	[sflag:s21] =	ssyncadd.s32 $0xFFFF9C00  }
0x3d: {  	[hbm4b:s5+s4] =	stream.linear.scatter [tilespmem:s17], [sflag:$0x6], $0x6400, $0x38;
	[tilespmem:$0x1AF40] =	vst v63  }
0x3e: {  	_ =	swait.ge [sflag:s13], $0x6400  }
0x3f: {  	[sflag:s13] =	ssyncset.done $0x0  }
0x40: {  	s26 =	simm.s32 $0x258;
	[sflag:s13] =	ssyncadd.s32 $0xFFFF9C00  }
0x41: {  	[tilespmem:s20], [sflag:$0x4] =	stream.indirect.gather.add.f32 [hbm:s1], $0x80, s26, s16, $0xb8;
	[tilespmem:$0x1AF40] =	vst v63  }
0x42: {  	_ =	swait.ge [sflag:s22], $0x6400  }
0x43: {  	[sflag:s22] =	ssyncset.done $0x0  }
0x44: {  	[sflag:s22] =	ssyncadd.s32 $0xFFFF9C00  }
0x45: {  	[tilespmem:s14], [sflag:$0x9] =	stream.linear.gather [spmem:s3], $0x6400, $0x38;
	[tilespmem:$0x1AF40] =	vst v63  }
0x46: {  	_ =	swait.ge [sflag:s23], $0x6400  }
0x47: {  	[sflag:s23] =	ssyncset.done $0x0  }
0x48: {  	s31 =	sadd.s32 $0x1900, s29;
	[sflag:s23] =	ssyncadd.s32 $0xFFFF9C00  }
0x49: {  	[hbm4b:s31+s4] =	stream.linear.scatter [tilespmem:s18], [sflag:$0x7], $0x6400, $0x38;
	[tilespmem:$0x1AF40] =	vst v63  }
0x4a: {  	_ =	swait.ge [sflag:s13], $0x6400  }
0x4b: {  	[sflag:s13] =	ssyncset.done $0x0  }
0x4c: {  	s0 =	simm.s32 $0x320;
	[sflag:s13] =	ssyncadd.s32 $0xFFFF9C00  }
0x4d: {  	[tilespmem:s14], [sflag:$0x1] =	stream.indirect.gather.add.f32 [hbm:s1], $0x80, s0, s16, $0xb8;
	[tilespmem:$0x1AF40] =	vst v63  }
0x4e: {  	_ =	swait.ge [sflag:s24], $0x6400  }
0x4f: {  	[sflag:s24] =	ssyncset.done $0x0  }
0x50: {  	[sflag:s24] =	ssyncadd.s32 $0xFFFF9C00  }
0x51: {  	[tilespmem:s17], [sflag:$0x9] =	stream.linear.gather [spmem:s3], $0x6400, $0x38;
	[tilespmem:$0x1AF40] =	vst v63  }
0x52: {  	_ =	swait.ge [sflag:s25], $0x6400  }
0x53: {  	s29 =	sadd.s32 $0x2580, s29;
	s26 =	simm.s32 $0x3200;
	[sflag:s25] =	ssyncset.done $0x0  }
.LBB2_2:
0x54: {  	[sflag:s25] =	ssyncadd.s32 $0xFFFF9C00  }
0x55: {  	s0 =	sadd.s32 $0x320, s0;
	s31 =	smov.u32 s26;
	s26 =	sadd.s32 $0x3200, s26  }
0x56: {  	[hbm4b:s29+s4] =	stream.linear.scatter [tilespmem:s20], [sflag:$0x8], $0x6400, $0x38;
	[tilespmem:$0x1AF40] =	vst v63  }
0x57: {  	p1 =	sne.s32 s26, $0x15E00;
	_ =	swait.ge [sflag:s13], $0x6400  }
0x58: {  	s29 =	sadd.s32 $0xFFFFFDA8, s0;
	p2 =	seq.s32 s31, $0x0;
	[sflag:s13] =	ssyncset.done $0x0  }
0x59: {  	s5 =	simm.s32 @!p2 $0x7;
	[sflag:s13] =	ssyncadd.s32 $0xFFFF9C00  }
0x5a: {  	[tilespmem:s17], [sflag:$0x2] =	stream.indirect.gather.add.f32 [hbm:s1], $0x80, s29, s16, $0xb8;
	[tilespmem:$0x1AF40] =	vst v63  }
0x5b: {  	_ =	swait.ge @!p2 [sflag:s5], $0x6400  }
0x5c: {  	[sflag:s5] =	ssyncset.done @!p2 $0x0  }
0x5d: {  	[sflag:s5] =	ssyncadd.s32 @!p2 $0xFFFF9C00  }
0x5e: {  	[tilespmem:s18], [sflag:$0x9] =	stream.linear.gather [spmem:s3], $0x6400, $0x38;
	[tilespmem:$0x1AF40] =	vst v63  }
0x5f: {  	_ =	swait.ge [sflag:s19], $0x6400  }
0x60: {  	s29 =	sadd.s32 s31, s11;
	[sflag:s19] =	ssyncset.done $0x0  }
0x61: {  	[sflag:s19] =	ssyncadd.s32 $0xFFFF9C00  }
0x62: {  	[hbm4b:s29+s4] =	stream.linear.scatter [tilespmem:s14], [sflag:$0x5], $0x6400, $0x38;
	[tilespmem:$0x1AF40] =	vst v63  }
0x63: {  	_ =	swait.ge [sflag:s13], $0x6400  }
0x64: {  	s5 =	sadd.s32 $0xFFFFFE70, s0;
	[sflag:s13] =	ssyncset.done $0x0  }
0x65: {  	s31 =	simm.s32 @!p2 $0x8;
	[sflag:s13] =	ssyncadd.s32 $0xFFFF9C00  }
0x66: {  	[tilespmem:s18], [sflag:$0x3] =	stream.indirect.gather.add.f32 [hbm:s1], $0x80, s5, s16, $0xb8;
	[tilespmem:$0x1AF40] =	vst v63  }
0x67: {  	_ =	swait.ge @!p2 [sflag:s31], $0x6400  }
0x68: {  	[sflag:s31] =	ssyncset.done @!p2 $0x0  }
0x69: {  	[sflag:s31] =	ssyncadd.s32 @!p2 $0xFFFF9C00  }
0x6a: {  	[tilespmem:s20], [sflag:$0x9] =	stream.linear.gather [spmem:s3], $0x6400, $0x38;
	[tilespmem:$0x1AF40] =	vst v63  }
0x6b: {  	_ =	swait.ge [sflag:s21], $0x6400  }
0x6c: {  	s5 =	sadd.s32 $0xC80, s29;
	[sflag:s21] =	ssyncset.done $0x0  }
0x6d: {  	[sflag:s21] =	ssyncadd.s32 $0xFFFF9C00  }
0x6e: {  	[hbm4b:s5+s4] =	stream.linear.scatter [tilespmem:s17], [sflag:$0x6], $0x6400, $0x38;
	[tilespmem:$0x1AF40] =	vst v63  }
0x6f: {  	_ =	swait.ge [sflag:s13], $0x6400  }
0x70: {  	s5 =	sadd.s32 $0xFFFFFF38, s0;
	[sflag:s13] =	ssyncset.done $0x0  }
0x71: {  	[sflag:s13] =	ssyncadd.s32 $0xFFFF9C00  }
0x72: {  	[tilespmem:s20], [sflag:$0x4] =	stream.indirect.gather.add.f32 [hbm:s1], $0x80, s5, s16, $0xb8;
	[tilespmem:$0x1AF40] =	vst v63  }
0x73: {  	_ =	swait.ge [sflag:s22], $0x6400  }
0x74: {  	[sflag:s22] =	ssyncset.done $0x0  }
0x75: {  	[sflag:s22] =	ssyncadd.s32 $0xFFFF9C00  }
0x76: {  	[tilespmem:s14], [sflag:$0x9] =	stream.linear.gather [spmem:s3], $0x6400, $0x38;
	[tilespmem:$0x1AF40] =	vst v63  }
0x77: {  	_ =	swait.ge [sflag:s23], $0x6400  }
0x78: {  	s5 =	sadd.s32 $0x1900, s29;
	[sflag:s23] =	ssyncset.done $0x0  }
0x79: {  	[sflag:s23] =	ssyncadd.s32 $0xFFFF9C00  }
0x7a: {  	[hbm4b:s5+s4] =	stream.linear.scatter [tilespmem:s18], [sflag:$0x7], $0x6400, $0x38;
	[tilespmem:$0x1AF40] =	vst v63  }
0x7b: {  	_ =	swait.ge [sflag:s13], $0x6400  }
0x7c: {  	[sflag:s13] =	ssyncset.done $0x0  }
0x7d: {  	[sflag:s13] =	ssyncadd.s32 $0xFFFF9C00  }
0x7e: {  	[tilespmem:s14], [sflag:$0x1] =	stream.indirect.gather.add.f32 [hbm:s1], $0x80, s0, s16, $0xb8;
	[tilespmem:$0x1AF40] =	vst v63  }
0x7f: {  	_ =	swait.ge [sflag:s24], $0x6400  }
.Ltmp0:
0x80: {  	[sflag:s24] =	ssyncset.done $0x0;
	(pc) =	sbr.rel @p1 .LBB2_2-.Ltmp0, $4  }
0x81: {  	[sflag:s24] =	ssyncadd.s32 $0xFFFF9C00  }
0x82: {  	[tilespmem:s17], [sflag:$0x9] =	stream.linear.gather [spmem:s3], $0x6400, $0x38;
	[tilespmem:$0x1AF40] =	vst v63  }
0x83: {  	_ =	swait.ge [sflag:s25], $0x6400  }
0x84: {  	s29 =	sadd.s32 $0x2580, s29;
	[sflag:s25] =	ssyncset.done $0x0  }
0x85: {  	[sflag:s25] =	ssyncadd.s32 $0xFFFF9C00  }
0x86: {  	[hbm4b:s29+s4] =	stream.linear.scatter [tilespmem:s20], [sflag:$0x8], $0x6400, $0x38;
	[tilespmem:$0x1AF40] =	vst v63  }
0x87: {  	_ =	swait.ge [sflag:s13], $0x6400  }
0x88: {  	[sflag:s13] =	ssyncset.done $0x0  }
0x89: {  	s0 =	simm.s32 $0x16A8;
	[sflag:s13] =	ssyncadd.s32 $0xFFFF9C00  }
0x8a: {  	[tilespmem:s17], [sflag:$0x2] =	stream.indirect.gather.add.f32 [hbm:s1], $0x80, s0, s16, $0xb8;
	[tilespmem:$0x1AF40] =	vst v63  }
0x8b: {  	_ =	swait.ge [sflag:s28], $0x6400  }
0x8c: {  	[sflag:s28] =	ssyncset.done $0x0  }
0x8d: {  	[sflag:s28] =	ssyncadd.s32 $0xFFFF9C00  }
0x8e: {  	[tilespmem:s18], [sflag:$0x9] =	stream.linear.gather [spmem:s3], $0x6400, $0x38;
	[tilespmem:$0x1AF40] =	vst v63  }
0x8f: {  	_ =	swait.ge [sflag:s19], $0x6400  }
0x90: {  	[sflag:s19] =	ssyncset.done $0x0  }
0x91: {  	[sflag:s19] =	ssyncadd.s32 $0xFFFF9C00  }
0x92: {  	[hbm4b:s6+s4] =	stream.linear.scatter [tilespmem:s14], [sflag:$0x5], $0x6400, $0x38;
	[tilespmem:$0x1AF40] =	vst v63  }
0x93: {  	_ =	swait.ge [sflag:s13], $0x6400  }
0x94: {  	[sflag:s13] =	ssyncset.done $0x0  }
0x95: {  	s29 =	simm.s32 $0x1770;
	[sflag:s13] =	ssyncadd.s32 $0xFFFF9C00  }
0x96: {  	[tilespmem:s18], [sflag:$0x3] =	stream.indirect.gather.add.f32 [hbm:s1], $0x80, s29, s16, $0xb8;
	[tilespmem:$0x1AF40] =	vst v63  }
0x97: {  	_ =	swait.ge [sflag:s30], $0x6400  }
0x98: {  	[sflag:s30] =	ssyncset.done $0x0  }
0x99: {  	[sflag:s30] =	ssyncadd.s32 $0xFFFF9C00  }
0x9a: {  	[tilespmem:s20], [sflag:$0x9] =	stream.linear.gather [spmem:s3], $0x6400, $0x38;
	[tilespmem:$0x1AF40] =	vst v63  }
0x9b: {  	_ =	swait.ge [sflag:s21], $0x6400  }
0x9c: {  	[sflag:s21] =	ssyncset.done $0x0  }
0x9d: {  	[sflag:s21] =	ssyncadd.s32 $0xFFFF9C00  }
0x9e: {  	[hbm4b:s7+s4] =	stream.linear.scatter [tilespmem:s17], [sflag:$0x6], $0x6400, $0x38;
	[tilespmem:$0x1AF40] =	vst v63  }
0x9f: {  	_ =	swait.ge [sflag:s13], $0x6400  }
0xa0: {  	[sflag:s13] =	ssyncset.done $0x0  }
0xa1: {  	s31 =	simm.s32 $0x1838;
	[sflag:s13] =	ssyncadd.s32 $0xFFFF9C00  }
0xa2: {  	[tilespmem:s20], [sflag:$0x4] =	stream.indirect.gather.add.f32 [hbm:s1], $0x80, s31, s16, $0xb8;
	[tilespmem:$0x1AF40] =	vst v63  }
0xa3: {  	_ =	swait.ge [sflag:s23], $0x6400  }
0xa4: {  	[sflag:s23] =	ssyncset.done $0x0  }
0xa5: {  	[sflag:s23] =	ssyncadd.s32 $0xFFFF9C00  }
0xa6: {  	[hbm4b:s8+s4] =	stream.linear.scatter [tilespmem:s18], [sflag:$0x7], $0x6400, $0x38;
	[tilespmem:$0x1AF40] =	vst v63  }
0xa7: {  	_ =	swait.ge [sflag:s25], $0x6400  }
0xa8: {  	[sflag:s25] =	ssyncset.done $0x0  }
0xa9: {  	[sflag:s25] =	ssyncadd.s32 $0xFFFF9C00  }
0xaa: {  	[hbm4b:s9+s4] =	stream.linear.scatter [tilespmem:s20], [sflag:$0x8], $0x6400, $0x38;
	[tilespmem:$0x1AF40] =	vst v63  }
0xab: {  	_ =	swait.ge [sflag:s22], $0x6400  }
0xac: {  	[sflag:s22] =	ssyncset.done $0x0  }
0xad: {  	[sflag:s22] =	ssyncadd.s32 $0xFFFF9C00  }
0xae: {  	_ =	swait.ge [sflag:s24], $0x6400  }
0xaf: {  	[sflag:s24] =	ssyncset.done $0x0  }
0xb0: {  	s2 =	sadd.s32 $0x1, s2;
	[sflag:s24] =	ssyncadd.s32 $0xFFFF9C00  }
0xb1: {  	p1 =	sne.s32 s2, s10;
	_ =	swait.ge [sflag:s28], $0x6400  }
.Ltmp1:
0xb2: {  	[sflag:s28] =	ssyncset.done $0x0;
	(pc) =	sbr.rel @p1 .LBB2_1-.Ltmp1, $4  }
0xb3: {  	[sflag:s28] =	ssyncadd.s32 $0xFFFF9C00  }
0xb4: {  	_ =	swait.ge [sflag:s30], $0x6400  }
0xb5: {  	[sflag:s30] =	ssyncset.done $0x0  }
0xb6: {  	[sflag:s30] =	ssyncadd.s32 $0xFFFF9C00  }
0xb7: {  	_ =	sfence.sel $0x180000  }
0xb8: {  	[bflag:$0x0] =	sbarrier.arrive $0xFFFF  }
0xb9: {  	_ =	strace $0x90000047  }
0xba: {  	[bflag:$0x2] =	sbarrier.arrive $0xFFFF  }
0xbb: {  	s0 =	rddreg [dreg:$0x4]  }
0xbc: {  	s0 =	sadd.s32 @!p0 $0x100000, s0  }
0xbd: {  	[sflag:s0] =	ssyncadd.tile.s32 @!p0 $0x1;
	_ =	shalt  }
.Lfunc_end2:
_tile_overlayer_lowered:
.L_overlay_start_2:
0xbe: {  	(tag) =	ssettag $0x2  }
0xbf: {  	s0 =	rddreg [dreg:$0x0];
	s2 =	stileid.u32  }
0xc0: {  	s1 =	rddreg [dreg:$0x1];
	p0 =	sne.s32 s2, $0x0  }
0xc1: {  	s3 =	rddreg [dreg:$0x2];
	[bflag:$0x3] =	sbarrier.arrive $0xFFFF;
	s2 =	simm.s32 @!p0 $0x1C0A  }
0xc2: {  	[timem:s3], [sflag:s2] =	dma.local @!p0 [hbm:s0], s1  }
0xc3: {  	s0 =	simm.s32 @!p0 $0xA  }
0xc4: {  	_ =	swait.ge @!p0 [sflag:s0], s1  }
0xc5: {  	s1 =	ssub.s32 @!p0 $0x0, s1;
	[sflag:s0] =	ssyncset.done @!p0 $0x0  }
0xc6: {  	[sflag:s0] =	ssyncadd.s32 @!p0 s1  }
0xc7: {  	[bflag:$0x3] =	sbarrier.arrive $0xFFFF  }
0xc8: {  	_ =	shalt  }

</sc_bundles>
